<compile_context>
chip_gen: v7x
topology: tpu7x:2x2x1
jax: 0.10.2.dev20260603
libtpu: 0.0.44.dev20260713+nightly
codegen_flags: <defaults>
</compile_context>

<pallas_src>
import functools

import jax
import jax.numpy as jnp
from jax import lax
from jax.experimental import pallas as pl
from jax.experimental.pallas import tpu as pltpu
from jax.experimental.pallas import tpu_sc as plsc

_TIMESTEPS_SCALE = 1000.0
_RNE_MAGIC = 8388608.0
_LANES = 16

_B = 16384


def _body(b_per_w, t_hbm, gamma_hbm, out_hbm, gamma_v, t_v, sem_g, sem_t):
    wid = lax.axis_index("s")
    base = wid * b_per_w
    cp_g = pltpu.async_copy(gamma_hbm, gamma_v, sem_g)
    cp_t = pltpu.async_copy(t_hbm.at[pl.ds(base, b_per_w)], t_v, sem_t)
    cp_g.wait()
    cp_t.wait()
    for i in range(b_per_w // _LANES):
        off = i * _LANES
        x = t_v[pl.ds(off, _LANES)]
        y = (x * _TIMESTEPS_SCALE + _RNE_MAGIC) - _RNE_MAGIC
        idx = y.astype(jnp.int32)
        t_v[pl.ds(off, _LANES)] = plsc.load_gather(gamma_v, [idx])
    pltpu.sync_copy(t_v, out_hbm.at[pl.ds(base, b_per_w)])


def kernel(t, gamma):
    info = plsc.get_sparse_core_info()
    nw = info.num_subcores
    b_per_w = _B // nw
    mesh = plsc.VectorSubcoreMesh(
        core_axis_name="c", subcore_axis_name="s", num_cores=1
    )
    k = functools.partial(
        pl.kernel,
        mesh=mesh,
        out_type=jax.ShapeDtypeStruct((_B,), jnp.float32),
        scratch_types=[
            pltpu.VMEM(gamma.shape, jnp.float32),
            pltpu.VMEM((b_per_w,), jnp.float32),
            pltpu.SemaphoreType.DMA,
            pltpu.SemaphoreType.DMA,
        ],
        compiler_params=pltpu.CompilerParams(needs_layout_passes=False),
    )(functools.partial(_body, b_per_w))
    return k(t, gamma)

# --- scband reference (transcript-rebuilt; emitter-appended) ---
"""Pipeline reference for scband-predefined-noise-schedule-206158430689 (READ-ONLY COPY).

The authoritative reference and input builder live on the scoring server;
editing this copy changes nothing except your own understanding.
"""

import jax, jax.numpy as jnp
import numpy as np

TIMESTEPS = 1000

def _cosine_beta_schedule(timesteps, s=0.008, raise_to_power=1.0):
    steps = timesteps + 2
    x = np.linspace(0, steps, steps)
    alphas_cumprod = np.cos(((x / steps) + s) / (1 + s) * np.pi * 0.5) ** 2
    alphas_cumprod = alphas_cumprod / alphas_cumprod[0]
    betas = 1 - (alphas_cumprod[1:] / alphas_cumprod[:-1])
    betas = np.clip(betas, a_min=0, a_max=0.999)
    alphas = 1.0 - betas
    alphas_cumprod = np.cumprod(alphas, axis=0)
    if raise_to_power != 1:
        alphas_cumprod = np.power(alphas_cumprod, raise_to_power)
    return alphas_cumprod

def _make_gamma(timesteps):
    alphas2 = _cosine_beta_schedule(timesteps)
    sigmas2 = 1 - alphas2
    log_alphas2 = np.log(alphas2)
    log_sigmas2 = np.log(sigmas2)
    log_alphas2_to_sigmas2 = log_alphas2 - log_sigmas2
    return jnp.asarray(-log_alphas2_to_sigmas2, dtype=jnp.float32)

def setup_inputs(seed: int = 0):
    key = jax.random.key(seed)
    t = jax.random.uniform(key, (16384,), dtype=jnp.float32)
    gamma = _make_gamma(TIMESTEPS)
    return {"t": t, "gamma": gamma}

def reference(t, gamma):
    t_int = jnp.round(t * TIMESTEPS).astype(jnp.int32)
    return jnp.take(gamma, t_int, axis=0)

if __name__ == "__main__":
    import jax
    _d = setup_inputs()
    print(jax.jit(kernel)(*tuple(_d.values())))

</pallas_src>

<mosaic_0001>
#map = affine_map<(d0, d1) -> (0)>
module attributes {stable_mosaic.version = 14 : i64} {
  func.func @_body(%arg0: i32, %arg1: i32, %arg2: memref<16384xf32, #tpu.memory_space<hbm>>, %arg3: memref<1001xf32, #tpu.memory_space<hbm>>, %arg4: memref<16384xf32, #tpu.memory_space<hbm>>, %arg5: memref<1001xf32, #tpu.memory_space<vmem>>, %arg6: memref<1024xf32, #tpu.memory_space<vmem>>, %arg7: memref<!tpu.dma_semaphore, #tpu.memory_space<semaphore_mem>>, %arg8: memref<!tpu.dma_semaphore, #tpu.memory_space<semaphore_mem>>) attributes {dimension_semantics = [#tpu.dimension_semantics<core_parallel>, #tpu.dimension_semantics<subcore_parallel>], iteration_bounds = array<i64: 1, 16>, scalar_prefetch = 0 : i64, scratch_operands = 4 : i64, tpu.core_type = #tpu.core_type<sc_vector_subcore>, window_params = [{transform_indices = #map}, {transform_indices = #map}, {transform_indices = #map}]} {
    %mul3A = arith.constant 1024 : i32
    %mul3A_0 = arith.muli %arg1, %mul3A : i32
    tpu.enqueue_dma source(%arg3 : memref<1001xf32, #tpu.memory_space<hbm>>) target(%arg5 : memref<1001xf32, #tpu.memory_space<vmem>>) target_semaphore(%arg7 : memref<!tpu.dma_semaphore, #tpu.memory_space<semaphore_mem>>)
    %dma_start3A = tpu.memref_slice %arg2[%mul3A_0] : memref<16384xf32, #tpu.memory_space<hbm>> -> memref<1024xf32, #tpu.memory_space<hbm>>
    %dma_start3A_1 = tpu.memref_slice %arg2[%mul3A_0] : memref<16384xf32, #tpu.memory_space<hbm>> -> memref<1024xf32, #tpu.memory_space<hbm>>
    tpu.enqueue_dma source(%dma_start3A_1 : memref<1024xf32, #tpu.memory_space<hbm>>) target(%arg6 : memref<1024xf32, #tpu.memory_space<vmem>>) target_semaphore(%arg8 : memref<!tpu.dma_semaphore, #tpu.memory_space<semaphore_mem>>)
    tpu.wait_dma2 semaphore(%arg7 : memref<!tpu.dma_semaphore, #tpu.memory_space<semaphore_mem>>) src(%arg3 : memref<1001xf32, #tpu.memory_space<hbm>>) dst(%arg5 : memref<1001xf32, #tpu.memory_space<vmem>>)
    %dma_wait3A = tpu.memref_slice %arg2[%mul3A_0] : memref<16384xf32, #tpu.memory_space<hbm>> -> memref<1024xf32, #tpu.memory_space<hbm>>
    %dma_wait3A_2 = tpu.memref_slice %arg2[%mul3A_0] : memref<16384xf32, #tpu.memory_space<hbm>> -> memref<1024xf32, #tpu.memory_space<hbm>>
    tpu.wait_dma2 semaphore(%arg8 : memref<!tpu.dma_semaphore, #tpu.memory_space<semaphore_mem>>) src(%dma_wait3A_2 : memref<1024xf32, #tpu.memory_space<hbm>>) dst(%arg6 : memref<1024xf32, #tpu.memory_space<vmem>>)
    %get3A = arith.constant 0 : index
    %get3A_3 = tpu.vector_load %arg6[%get3A] {strides = array<i32>} : memref<1024xf32, #tpu.memory_space<vmem>>, vector<16xf32>,
    %mul3A_4 = arith.constant 1.000000e+03 : f32
    %mul3A_5 = vector.broadcast %mul3A_4 : f32 to vector<16xf32>
    %mul3A_6 = arith.mulf %get3A_3, %mul3A_5 : vector<16xf32>
    %add3A = arith.constant 0x4B000000 : f32
    %add3A_7 = vector.broadcast %add3A : f32 to vector<16xf32>
    %add3A_8 = arith.addf %mul3A_6, %add3A_7 : vector<16xf32>
    %sub3A = arith.constant 0x4B000000 : f32
    %sub3A_9 = vector.broadcast %sub3A : f32 to vector<16xf32>
    %sub3A_10 = arith.subf %add3A_8, %sub3A_9 : vector<16xf32>
    %convert_element_type3A = arith.fptosi %sub3A_10 : vector<16xf32> to vector<16xi32>
    %gather3A = tpu.vector_load_idx %arg5[%convert_element_type3A] : memref<1001xf32, #tpu.memory_space<vmem>>[vector<16xi32>], vector<16xf32>,
    %swap3A = arith.constant 0 : index
    %swap3A_11 = tpu.vector_load %arg6[%swap3A] {strides = array<i32>} : memref<1024xf32, #tpu.memory_space<vmem>>, vector<16xf32>,
    tpu.vector_store %arg6[%swap3A], %gather3A {strides = array<i32>} : memref<1024xf32, #tpu.memory_space<vmem>>, vector<16xf32>,
    %get3A_12 = arith.constant 16 : index
    %get3A_13 = tpu.vector_load %arg6[%get3A_12] {strides = array<i32>} : memref<1024xf32, #tpu.memory_space<vmem>>, vector<16xf32>,
    %mul3A_14 = arith.constant 1.000000e+03 : f32
    %mul3A_15 = vector.broadcast %mul3A_14 : f32 to vector<16xf32>
    %mul3A_16 = arith.mulf %get3A_13, %mul3A_15 : vector<16xf32>
    %add3A_17 = arith.constant 0x4B000000 : f32
    %add3A_18 = vector.broadcast %add3A_17 : f32 to vector<16xf32>
    %add3A_19 = arith.addf %mul3A_16, %add3A_18 : vector<16xf32>
    %sub3A_20 = arith.constant 0x4B000000 : f32
    %sub3A_21 = vector.broadcast %sub3A_20 : f32 to vector<16xf32>
    %sub3A_22 = arith.subf %add3A_19, %sub3A_21 : vector<16xf32>
    %convert_element_type3A_23 = arith.fptosi %sub3A_22 : vector<16xf32> to vector<16xi32>
    %gather3A_24 = tpu.vector_load_idx %arg5[%convert_element_type3A_23] : memref<1001xf32, #tpu.memory_space<vmem>>[vector<16xi32>], vector<16xf32>,
    %swap3A_25 = arith.constant 16 : index
    %swap3A_26 = tpu.vector_load %arg6[%swap3A_25] {strides = array<i32>} : memref<1024xf32, #tpu.memory_space<vmem>>, vector<16xf32>,
    tpu.vector_store %arg6[%swap3A_25], %gather3A_24 {strides = array<i32>} : memref<1024xf32, #tpu.memory_space<vmem>>, vector<16xf32>,
    %get3A_27 = arith.constant 32 : index
    %get3A_28 = tpu.vector_load %arg6[%get3A_27] {strides = array<i32>} : memref<1024xf32, #tpu.memory_space<vmem>>, vector<16xf32>,
    %mul3A_29 = arith.constant 1.000000e+03 : f32
    %mul3A_30 = vector.broadcast %mul3A_29 : f32 to vector<16xf32>
    %mul3A_31 = arith.mulf %get3A_28, %mul3A_30 : vector<16xf32>
    %add3A_32 = arith.constant 0x4B000000 : f32
    %add3A_33 = vector.broadcast %add3A_32 : f32 to vector<16xf32>
    %add3A_34 = arith.addf %mul3A_31, %add3A_33 : vector<16xf32>
    %sub3A_35 = arith.constant 0x4B000000 : f32
    %sub3A_36 = vector.broadcast %sub3A_35 : f32 to vector<16xf32>
    %sub3A_37 = arith.subf %add3A_34, %sub3A_36 : vector<16xf32>
    %convert_element_type3A_38 = arith.fptosi %sub3A_37 : vector<16xf32> to vector<16xi32>
    %gather3A_39 = tpu.vector_load_idx %arg5[%convert_element_type3A_38] : memref<1001xf32, #tpu.memory_space<vmem>>[vector<16xi32>], vector<16xf32>,
    %swap3A_40 = arith.constant 32 : index
    %swap3A_41 = tpu.vector_load %arg6[%swap3A_40] {strides = array<i32>} : memref<1024xf32, #tpu.memory_space<vmem>>, vector<16xf32>,
    tpu.vector_store %arg6[%swap3A_40], %gather3A_39 {strides = array<i32>} : memref<1024xf32, #tpu.memory_space<vmem>>, vector<16xf32>,
    %get3A_42 = arith.constant 48 : index
    %get3A_43 = tpu.vector_load %arg6[%get3A_42] {strides = array<i32>} : memref<1024xf32, #tpu.memory_space<vmem>>, vector<16xf32>,
    %mul3A_44 = arith.constant 1.000000e+03 : f32
    %mul3A_45 = vector.broadcast %mul3A_44 : f32 to vector<16xf32>
    %mul3A_46 = arith.mulf %get3A_43, %mul3A_45 : vector<16xf32>
    %add3A_47 = arith.constant 0x4B000000 : f32
    %add3A_48 = vector.broadcast %add3A_47 : f32 to vector<16xf32>
    %add3A_49 = arith.addf %mul3A_46, %add3A_48 : vector<16xf32>
    %sub3A_50 = arith.constant 0x4B000000 : f32
    %sub3A_51 = vector.broadcast %sub3A_50 : f32 to vector<16xf32>
    %sub3A_52 = arith.subf %add3A_49, %sub3A_51 : vector<16xf32>
    %convert_element_type3A_53 = arith.fptosi %sub3A_52 : vector<16xf32> to vector<16xi32>
    %gather3A_54 = tpu.vector_load_idx %arg5[%convert_element_type3A_53] : memref<1001xf32, #tpu.memory_space<vmem>>[vector<16xi32>], vector<16xf32>,
    %swap3A_55 = arith.constant 48 : index
    %swap3A_56 = tpu.vector_load %arg6[%swap3A_55] {strides = array<i32>} : memref<1024xf32, #tpu.memory_space<vmem>>, vector<16xf32>,
    tpu.vector_store %arg6[%swap3A_55], %gather3A_54 {strides = array<i32>} : memref<1024xf32, #tpu.memory_space<vmem>>, vector<16xf32>,
    %get3A_57 = arith.constant 64 : index
    %get3A_58 = tpu.vector_load %arg6[%get3A_57] {strides = array<i32>} : memref<1024xf32, #tpu.memory_space<vmem>>, vector<16xf32>,
    %mul3A_59 = arith.constant 1.000000e+03 : f32
    %mul3A_60 = vector.broadcast %mul3A_59 : f32 to vector<16xf32>
    %mul3A_61 = arith.mulf %get3A_58, %mul3A_60 : vector<16xf32>
    %add3A_62 = arith.constant 0x4B000000 : f32
    %add3A_63 = vector.broadcast %add3A_62 : f32 to vector<16xf32>
    %add3A_64 = arith.addf %mul3A_61, %add3A_63 : vector<16xf32>
    %sub3A_65 = arith.constant 0x4B000000 : f32
    %sub3A_66 = vector.broadcast %sub3A_65 : f32 to vector<16xf32>
    %sub3A_67 = arith.subf %add3A_64, %sub3A_66 : vector<16xf32>
    %convert_element_type3A_68 = arith.fptosi %sub3A_67 : vector<16xf32> to vector<16xi32>
    %gather3A_69 = tpu.vector_load_idx %arg5[%convert_element_type3A_68] : memref<1001xf32, #tpu.memory_space<vmem>>[vector<16xi32>], vector<16xf32>,
    %swap3A_70 = arith.constant 64 : index
    %swap3A_71 = tpu.vector_load %arg6[%swap3A_70] {strides = array<i32>} : memref<1024xf32, #tpu.memory_space<vmem>>, vector<16xf32>,
    tpu.vector_store %arg6[%swap3A_70], %gather3A_69 {strides = array<i32>} : memref<1024xf32, #tpu.memory_space<vmem>>, vector<16xf32>,
    %get3A_72 = arith.constant 80 : index
    %get3A_73 = tpu.vector_load %arg6[%get3A_72] {strides = array<i32>} : memref<1024xf32, #tpu.memory_space<vmem>>, vector<16xf32>,
    %mul3A_74 = arith.constant 1.000000e+03 : f32
    %mul3A_75 = vector.broadcast %mul3A_74 : f32 to vector<16xf32>
    %mul3A_76 = arith.mulf %get3A_73, %mul3A_75 : vector<16xf32>
    %add3A_77 = arith.constant 0x4B000000 : f32
    %add3A_78 = vector.broadcast %add3A_77 : f32 to vector<16xf32>
    %add3A_79 = arith.addf %mul3A_76, %add3A_78 : vector<16xf32>
    %sub3A_80 = arith.constant 0x4B000000 : f32
    %sub3A_81 = vector.broadcast %sub3A_80 : f32 to vector<16xf32>
    %sub3A_82 = arith.subf %add3A_79, %sub3A_81 : vector<16xf32>
    %convert_element_type3A_83 = arith.fptosi %sub3A_82 : vector<16xf32> to vector<16xi32>
    %gather3A_84 = tpu.vector_load_idx %arg5[%convert_element_type3A_83] : memref<1001xf32, #tpu.memory_space<vmem>>[vector<16xi32>], vector<16xf32>,
    %swap3A_85 = arith.constant 80 : index
    %swap3A_86 = tpu.vector_load %arg6[%swap3A_85] {strides = array<i32>} : memref<1024xf32, #tpu.memory_space<vmem>>, vector<16xf32>,
    tpu.vector_store %arg6[%swap3A_85], %gather3A_84 {strides = array<i32>} : memref<1024xf32, #tpu.memory_space<vmem>>, vector<16xf32>,
    %get3A_87 = arith.constant 96 : index
    %get3A_88 = tpu.vector_load %arg6[%get3A_87] {strides = array<i32>} : memref<1024xf32, #tpu.memory_space<vmem>>, vector<16xf32>,
    %mul3A_89 = arith.constant 1.000000e+03 : f32
    %mul3A_90 = vector.broadcast %mul3A_89 : f32 to vector<16xf32>
    %mul3A_91 = arith.mulf %get3A_88, %mul3A_90 : vector<16xf32>
    %add3A_92 = arith.constant 0x4B000000 : f32
    %add3A_93 = vector.broadcast %add3A_92 : f32 to vector<16xf32>
    %add3A_94 = arith.addf %mul3A_91, %add3A_93 : vector<16xf32>
    %sub3A_95 = arith.constant 0x4B000000 : f32
    %sub3A_96 = vector.broadcast %sub3A_95 : f32 to vector<16xf32>
    %sub3A_97 = arith.subf %add3A_94, %sub3A_96 : vector<16xf32>
    %convert_element_type3A_98 = arith.fptosi %sub3A_97 : vector<16xf32> to vector<16xi32>
    %gather3A_99 = tpu.vector_load_idx %arg5[%convert_element_type3A_98] : memref<1001xf32, #tpu.memory_space<vmem>>[vector<16xi32>], vector<16xf32>,
    %swap3A_100 = arith.constant 96 : index
    %swap3A_101 = tpu.vector_load %arg6[%swap3A_100] {strides = array<i32>} : memref<1024xf32, #tpu.memory_space<vmem>>, vector<16xf32>,
    tpu.vector_store %arg6[%swap3A_100], %gather3A_99 {strides = array<i32>} : memref<1024xf32, #tpu.memory_space<vmem>>, vector<16xf32>,
    %get3A_102 = arith.constant 112 : index
    %get3A_103 = tpu.vector_load %arg6[%get3A_102] {strides = array<i32>} : memref<1024xf32, #tpu.memory_space<vmem>>, vector<16xf32>,
    %mul3A_104 = arith.constant 1.000000e+03 : f32
    %mul3A_105 = vector.broadcast %mul3A_104 : f32 to vector<16xf32>
    %mul3A_106 = arith.mulf %get3A_103, %mul3A_105 : vector<16xf32>
    %add3A_107 = arith.constant 0x4B000000 : f32
    %add3A_108 = vector.broadcast %add3A_107 : f32 to vector<16xf32>
    %add3A_109 = arith.addf %mul3A_106, %add3A_108 : vector<16xf32>
    %sub3A_110 = arith.constant 0x4B000000 : f32
    %sub3A_111 = vector.broadcast %sub3A_110 : f32 to vector<16xf32>
    %sub3A_112 = arith.subf %add3A_109, %sub3A_111 : vector<16xf32>
    %convert_element_type3A_113 = arith.fptosi %sub3A_112 : vector<16xf32> to vector<16xi32>
    %gather3A_114 = tpu.vector_load_idx %arg5[%convert_element_type3A_113] : memref<1001xf32, #tpu.memory_space<vmem>>[vector<16xi32>], vector<16xf32>,
    %swap3A_115 = arith.constant 112 : index
    %swap3A_116 = tpu.vector_load %arg6[%swap3A_115] {strides = array<i32>} : memref<1024xf32, #tpu.memory_space<vmem>>, vector<16xf32>,
    tpu.vector_store %arg6[%swap3A_115], %gather3A_114 {strides = array<i32>} : memref<1024xf32, #tpu.memory_space<vmem>>, vector<16xf32>,
    %get3A_117 = arith.constant 128 : index
    %get3A_118 = tpu.vector_load %arg6[%get3A_117] {strides = array<i32>} : memref<1024xf32, #tpu.memory_space<vmem>>, vector<16xf32>,
    %mul3A_119 = arith.constant 1.000000e+03 : f32
    %mul3A_120 = vector.broadcast %mul3A_119 : f32 to vector<16xf32>
    %mul3A_121 = arith.mulf %get3A_118, %mul3A_120 : vector<16xf32>
    %add3A_122 = arith.constant 0x4B000000 : f32
    %add3A_123 = vector.broadcast %add3A_122 : f32 to vector<16xf32>
    %add3A_124 = arith.addf %mul3A_121, %add3A_123 : vector<16xf32>
    %sub3A_125 = arith.constant 0x4B000000 : f32
    %sub3A_126 = vector.broadcast %sub3A_125 : f32 to vector<16xf32>
    %sub3A_127 = arith.subf %add3A_124, %sub3A_126 : vector<16xf32>
    %convert_element_type3A_128 = arith.fptosi %sub3A_127 : vector<16xf32> to vector<16xi32>
    %gather3A_129 = tpu.vector_load_idx %arg5[%convert_element_type3A_128] : memref<1001xf32, #tpu.memory_space<vmem>>[vector<16xi32>], vector<16xf32>,
    %swap3A_130 = arith.constant 128 : index
    %swap3A_131 = tpu.vector_load %arg6[%swap3A_130] {strides = array<i32>} : memref<1024xf32, #tpu.memory_space<vmem>>, vector<16xf32>,
    tpu.vector_store %arg6[%swap3A_130], %gather3A_129 {strides = array<i32>} : memref<1024xf32, #tpu.memory_space<vmem>>, vector<16xf32>,
    %get3A_132 = arith.constant 144 : index
    %get3A_133 = tpu.vector_load %arg6[%get3A_132] {strides = array<i32>} : memref<1024xf32, #tpu.memory_space<vmem>>, vector<16xf32>,
    %mul3A_134 = arith.constant 1.000000e+03 : f32
    %mul3A_135 = vector.broadcast %mul3A_134 : f32 to vector<16xf32>
    %mul3A_136 = arith.mulf %get3A_133, %mul3A_135 : vector<16xf32>
    %add3A_137 = arith.constant 0x4B000000 : f32
    %add3A_138 = vector.broadcast %add3A_137 : f32 to vector<16xf32>
    %add3A_139 = arith.addf %mul3A_136, %add3A_138 : vector<16xf32>
    %sub3A_140 = arith.constant 0x4B000000 : f32
    %sub3A_141 = vector.broadcast %sub3A_140 : f32 to vector<16xf32>
    %sub3A_142 = arith.subf %add3A_139, %sub3A_141 : vector<16xf32>
    %convert_element_type3A_143 = arith.fptosi %sub3A_142 : vector<16xf32> to vector<16xi32>
    %gather3A_144 = tpu.vector_load_idx %arg5[%convert_element_type3A_143] : memref<1001xf32, #tpu.memory_space<vmem>>[vector<16xi32>], vector<16xf32>,
    %swap3A_145 = arith.constant 144 : index
    %swap3A_146 = tpu.vector_load %arg6[%swap3A_145] {strides = array<i32>} : memref<1024xf32, #tpu.memory_space<vmem>>, vector<16xf32>,
    tpu.vector_store %arg6[%swap3A_145], %gather3A_144 {strides = array<i32>} : memref<1024xf32, #tpu.memory_space<vmem>>, vector<16xf32>,
    %get3A_147 = arith.constant 160 : index
    %get3A_148 = tpu.vector_load %arg6[%get3A_147] {strides = array<i32>} : memref<1024xf32, #tpu.memory_space<vmem>>, vector<16xf32>,
    %mul3A_149 = arith.constant 1.000000e+03 : f32
    %mul3A_150 = vector.broadcast %mul3A_149 : f32 to vector<16xf32>
    %mul3A_151 = arith.mulf %get3A_148, %mul3A_150 : vector<16xf32>
    %add3A_152 = arith.constant 0x4B000000 : f32
    %add3A_153 = vector.broadcast %add3A_152 : f32 to vector<16xf32>
    %add3A_154 = arith.addf %mul3A_151, %add3A_153 : vector<16xf32>
    %sub3A_155 = arith.constant 0x4B000000 : f32
    %sub3A_156 = vector.broadcast %sub3A_155 : f32 to vector<16xf32>
    %sub3A_157 = arith.subf %add3A_154, %sub3A_156 : vector<16xf32>
    %convert_element_type3A_158 = arith.fptosi %sub3A_157 : vector<16xf32> to vector<16xi32>
    %gather3A_159 = tpu.vector_load_idx %arg5[%convert_element_type3A_158] : memref<1001xf32, #tpu.memory_space<vmem>>[vector<16xi32>], vector<16xf32>,
    %swap3A_160 = arith.constant 160 : index
    %swap3A_161 = tpu.vector_load %arg6[%swap3A_160] {strides = array<i32>} : memref<1024xf32, #tpu.memory_space<vmem>>, vector<16xf32>,
    tpu.vector_store %arg6[%swap3A_160], %gather3A_159 {strides = array<i32>} : memref<1024xf32, #tpu.memory_space<vmem>>, vector<16xf32>,
    %get3A_162 = arith.constant 176 : index
    %get3A_163 = tpu.vector_load %arg6[%get3A_162] {strides = array<i32>} : memref<1024xf32, #tpu.memory_space<vmem>>, vector<16xf32>,
    %mul3A_164 = arith.constant 1.000000e+03 : f32
    %mul3A_165 = vector.broadcast %mul3A_164 : f32 to vector<16xf32>
    %mul3A_166 = arith.mulf %get3A_163, %mul3A_165 : vector<16xf32>
    %add3A_167 = arith.constant 0x4B000000 : f32
    %add3A_168 = vector.broadcast %add3A_167 : f32 to vector<16xf32>
    %add3A_169 = arith.addf %mul3A_166, %add3A_168 : vector<16xf32>
    %sub3A_170 = arith.constant 0x4B000000 : f32
    %sub3A_171 = vector.broadcast %sub3A_170 : f32 to vector<16xf32>
    %sub3A_172 = arith.subf %add3A_169, %sub3A_171 : vector<16xf32>
    %convert_element_type3A_173 = arith.fptosi %sub3A_172 : vector<16xf32> to vector<16xi32>
    %gather3A_174 = tpu.vector_load_idx %arg5[%convert_element_type3A_173] : memref<1001xf32, #tpu.memory_space<vmem>>[vector<16xi32>], vector<16xf32>,
    %swap3A_175 = arith.constant 176 : index
    %swap3A_176 = tpu.vector_load %arg6[%swap3A_175] {strides = array<i32>} : memref<1024xf32, #tpu.memory_space<vmem>>, vector<16xf32>,
    tpu.vector_store %arg6[%swap3A_175], %gather3A_174 {strides = array<i32>} : memref<1024xf32, #tpu.memory_space<vmem>>, vector<16xf32>,
    %get3A_177 = arith.constant 192 : index
    %get3A_178 = tpu.vector_load %arg6[%get3A_177] {strides = array<i32>} : memref<1024xf32, #tpu.memory_space<vmem>>, vector<16xf32>,
    %mul3A_179 = arith.constant 1.000000e+03 : f32
    %mul3A_180 = vector.broadcast %mul3A_179 : f32 to vector<16xf32>
    %mul3A_181 = arith.mulf %get3A_178, %mul3A_180 : vector<16xf32>
    %add3A_182 = arith.constant 0x4B000000 : f32
    %add3A_183 = vector.broadcast %add3A_182 : f32 to vector<16xf32>
    %add3A_184 = arith.addf %mul3A_181, %add3A_183 : vector<16xf32>
    %sub3A_185 = arith.constant 0x4B000000 : f32
    %sub3A_186 = vector.broadcast %sub3A_185 : f32 to vector<16xf32>
    %sub3A_187 = arith.subf %add3A_184, %sub3A_186 : vector<16xf32>
    %convert_element_type3A_188 = arith.fptosi %sub3A_187 : vector<16xf32> to vector<16xi32>
    %gather3A_189 = tpu.vector_load_idx %arg5[%convert_element_type3A_188] : memref<1001xf32, #tpu.memory_space<vmem>>[vector<16xi32>], vector<16xf32>,
    %swap3A_190 = arith.constant 192 : index
    %swap3A_191 = tpu.vector_load %arg6[%swap3A_190] {strides = array<i32>} : memref<1024xf32, #tpu.memory_space<vmem>>, vector<16xf32>,
    tpu.vector_store %arg6[%swap3A_190], %gather3A_189 {strides = array<i32>} : memref<1024xf32, #tpu.memory_space<vmem>>, vector<16xf32>,
    %get3A_192 = arith.constant 208 : index
    %get3A_193 = tpu.vector_load %arg6[%get3A_192] {strides = array<i32>} : memref<1024xf32, #tpu.memory_space<vmem>>, vector<16xf32>,
    %mul3A_194 = arith.constant 1.000000e+03 : f32
    %mul3A_195 = vector.broadcast %mul3A_194 : f32 to vector<16xf32>
    %mul3A_196 = arith.mulf %get3A_193, %mul3A_195 : vector<16xf32>
    %add3A_197 = arith.constant 0x4B000000 : f32
    %add3A_198 = vector.broadcast %add3A_197 : f32 to vector<16xf32>
    %add3A_199 = arith.addf %mul3A_196, %add3A_198 : vector<16xf32>
    %sub3A_200 = arith.constant 0x4B000000 : f32
    %sub3A_201 = vector.broadcast %sub3A_200 : f32 to vector<16xf32>
    %sub3A_202 = arith.subf %add3A_199, %sub3A_201 : vector<16xf32>
    %convert_element_type3A_203 = arith.fptosi %sub3A_202 : vector<16xf32> to vector<16xi32>
    %gather3A_204 = tpu.vector_load_idx %arg5[%convert_element_type3A_203] : memref<1001xf32, #tpu.memory_space<vmem>>[vector<16xi32>], vector<16xf32>,
    %swap3A_205 = arith.constant 208 : index
    %swap3A_206 = tpu.vector_load %arg6[%swap3A_205] {strides = array<i32>} : memref<1024xf32, #tpu.memory_space<vmem>>, vector<16xf32>,
    tpu.vector_store %arg6[%swap3A_205], %gather3A_204 {strides = array<i32>} : memref<1024xf32, #tpu.memory_space<vmem>>, vector<16xf32>,
    %get3A_207 = arith.constant 224 : index
    %get3A_208 = tpu.vector_load %arg6[%get3A_207] {strides = array<i32>} : memref<1024xf32, #tpu.memory_space<vmem>>, vector<16xf32>,
    %mul3A_209 = arith.constant 1.000000e+03 : f32
    %mul3A_210 = vector.broadcast %mul3A_209 : f32 to vector<16xf32>
    %mul3A_211 = arith.mulf %get3A_208, %mul3A_210 : vector<16xf32>
    %add3A_212 = arith.constant 0x4B000000 : f32
    %add3A_213 = vector.broadcast %add3A_212 : f32 to vector<16xf32>
    %add3A_214 = arith.addf %mul3A_211, %add3A_213 : vector<16xf32>
    %sub3A_215 = arith.constant 0x4B000000 : f32
    %sub3A_216 = vector.broadcast %sub3A_215 : f32 to vector<16xf32>
    %sub3A_217 = arith.subf %add3A_214, %sub3A_216 : vector<16xf32>
    %convert_element_type3A_218 = arith.fptosi %sub3A_217 : vector<16xf32> to vector<16xi32>
    %gather3A_219 = tpu.vector_load_idx %arg5[%convert_element_type3A_218] : memref<1001xf32, #tpu.memory_space<vmem>>[vector<16xi32>], vector<16xf32>,
    %swap3A_220 = arith.constant 224 : index
    %swap3A_221 = tpu.vector_load %arg6[%swap3A_220] {strides = array<i32>} : memref<1024xf32, #tpu.memory_space<vmem>>, vector<16xf32>,
    tpu.vector_store %arg6[%swap3A_220], %gather3A_219 {strides = array<i32>} : memref<1024xf32, #tpu.memory_space<vmem>>, vector<16xf32>,
    %get3A_222 = arith.constant 240 : index
    %get3A_223 = tpu.vector_load %arg6[%get3A_222] {strides = array<i32>} : memref<1024xf32, #tpu.memory_space<vmem>>, vector<16xf32>,
    %mul3A_224 = arith.constant 1.000000e+03 : f32
    %mul3A_225 = vector.broadcast %mul3A_224 : f32 to vector<16xf32>
    %mul3A_226 = arith.mulf %get3A_223, %mul3A_225 : vector<16xf32>
    %add3A_227 = arith.constant 0x4B000000 : f32
    %add3A_228 = vector.broadcast %add3A_227 : f32 to vector<16xf32>
    %add3A_229 = arith.addf %mul3A_226, %add3A_228 : vector<16xf32>
    %sub3A_230 = arith.constant 0x4B000000 : f32
    %sub3A_231 = vector.broadcast %sub3A_230 : f32 to vector<16xf32>
    %sub3A_232 = arith.subf %add3A_229, %sub3A_231 : vector<16xf32>
    %convert_element_type3A_233 = arith.fptosi %sub3A_232 : vector<16xf32> to vector<16xi32>
    %gather3A_234 = tpu.vector_load_idx %arg5[%convert_element_type3A_233] : memref<1001xf32, #tpu.memory_space<vmem>>[vector<16xi32>], vector<16xf32>,
    %swap3A_235 = arith.constant 240 : index
    %swap3A_236 = tpu.vector_load %arg6[%swap3A_235] {strides = array<i32>} : memref<1024xf32, #tpu.memory_space<vmem>>, vector<16xf32>,
    tpu.vector_store %arg6[%swap3A_235], %gather3A_234 {strides = array<i32>} : memref<1024xf32, #tpu.memory_space<vmem>>, vector<16xf32>,
    %get3A_237 = arith.constant 256 : index
    %get3A_238 = tpu.vector_load %arg6[%get3A_237] {strides = array<i32>} : memref<1024xf32, #tpu.memory_space<vmem>>, vector<16xf32>,
    %mul3A_239 = arith.constant 1.000000e+03 : f32
    %mul3A_240 = vector.broadcast %mul3A_239 : f32 to vector<16xf32>
    %mul3A_241 = arith.mulf %get3A_238, %mul3A_240 : vector<16xf32>
    %add3A_242 = arith.constant 0x4B000000 : f32
    %add3A_243 = vector.broadcast %add3A_242 : f32 to vector<16xf32>
    %add3A_244 = arith.addf %mul3A_241, %add3A_243 : vector<16xf32>
    %sub3A_245 = arith.constant 0x4B000000 : f32
    %sub3A_246 = vector.broadcast %sub3A_245 : f32 to vector<16xf32>
    %sub3A_247 = arith.subf %add3A_244, %sub3A_246 : vector<16xf32>
    %convert_element_type3A_248 = arith.fptosi %sub3A_247 : vector<16xf32> to vector<16xi32>
    %gather3A_249 = tpu.vector_load_idx %arg5[%convert_element_type3A_248] : memref<1001xf32, #tpu.memory_space<vmem>>[vector<16xi32>], vector<16xf32>,
    %swap3A_250 = arith.constant 256 : index
    %swap3A_251 = tpu.vector_load %arg6[%swap3A_250] {strides = array<i32>} : memref<1024xf32, #tpu.memory_space<vmem>>, vector<16xf32>,
    tpu.vector_store %arg6[%swap3A_250], %gather3A_249 {strides = array<i32>} : memref<1024xf32, #tpu.memory_space<vmem>>, vector<16xf32>,
    %get3A_252 = arith.constant 272 : index
    %get3A_253 = tpu.vector_load %arg6[%get3A_252] {strides = array<i32>} : memref<1024xf32, #tpu.memory_space<vmem>>, vector<16xf32>,
    %mul3A_254 = arith.constant 1.000000e+03 : f32
    %mul3A_255 = vector.broadcast %mul3A_254 : f32 to vector<16xf32>
    %mul3A_256 = arith.mulf %get3A_253, %mul3A_255 : vector<16xf32>
    %add3A_257 = arith.constant 0x4B000000 : f32
    %add3A_258 = vector.broadcast %add3A_257 : f32 to vector<16xf32>
    %add3A_259 = arith.addf %mul3A_256, %add3A_258 : vector<16xf32>
    %sub3A_260 = arith.constant 0x4B000000 : f32
    %sub3A_261 = vector.broadcast %sub3A_260 : f32 to vector<16xf32>
    %sub3A_262 = arith.subf %add3A_259, %sub3A_261 : vector<16xf32>
    %convert_element_type3A_263 = arith.fptosi %sub3A_262 : vector<16xf32> to vector<16xi32>
    %gather3A_264 = tpu.vector_load_idx %arg5[%convert_element_type3A_263] : memref<1001xf32, #tpu.memory_space<vmem>>[vector<16xi32>], vector<16xf32>,
    %swap3A_265 = arith.constant 272 : index
    %swap3A_266 = tpu.vector_load %arg6[%swap3A_265] {strides = array<i32>} : memref<1024xf32, #tpu.memory_space<vmem>>, vector<16xf32>,
    tpu.vector_store %arg6[%swap3A_265], %gather3A_264 {strides = array<i32>} : memref<1024xf32, #tpu.memory_space<vmem>>, vector<16xf32>,
    %get3A_267 = arith.constant 288 : index
    %get3A_268 = tpu.vector_load %arg6[%get3A_267] {strides = array<i32>} : memref<1024xf32, #tpu.memory_space<vmem>>, vector<16xf32>,
    %mul3A_269 = arith.constant 1.000000e+03 : f32
    %mul3A_270 = vector.broadcast %mul3A_269 : f32 to vector<16xf32>
    %mul3A_271 = arith.mulf %get3A_268, %mul3A_270 : vector<16xf32>
    %add3A_272 = arith.constant 0x4B000000 : f32
    %add3A_273 = vector.broadcast %add3A_272 : f32 to vector<16xf32>
    %add3A_274 = arith.addf %mul3A_271, %add3A_273 : vector<16xf32>
    %sub3A_275 = arith.constant 0x4B000000 : f32
    %sub3A_276 = vector.broadcast %sub3A_275 : f32 to vector<16xf32>
    %sub3A_277 = arith.subf %add3A_274, %sub3A_276 : vector<16xf32>
    %convert_element_type3A_278 = arith.fptosi %sub3A_277 : vector<16xf32> to vector<16xi32>
    %gather3A_279 = tpu.vector_load_idx %arg5[%convert_element_type3A_278] : memref<1001xf32, #tpu.memory_space<vmem>>[vector<16xi32>], vector<16xf32>,
    %swap3A_280 = arith.constant 288 : index
    %swap3A_281 = tpu.vector_load %arg6[%swap3A_280] {strides = array<i32>} : memref<1024xf32, #tpu.memory_space<vmem>>, vector<16xf32>,
    tpu.vector_store %arg6[%swap3A_280], %gather3A_279 {strides = array<i32>} : memref<1024xf32, #tpu.memory_space<vmem>>, vector<16xf32>,
    %get3A_282 = arith.constant 304 : index
    %get3A_283 = tpu.vector_load %arg6[%get3A_282] {strides = array<i32>} : memref<1024xf32, #tpu.memory_space<vmem>>, vector<16xf32>,
    %mul3A_284 = arith.constant 1.000000e+03 : f32
    %mul3A_285 = vector.broadcast %mul3A_284 : f32 to vector<16xf32>
    %mul3A_286 = arith.mulf %get3A_283, %mul3A_285 : vector<16xf32>
    %add3A_287 = arith.constant 0x4B000000 : f32
    %add3A_288 = vector.broadcast %add3A_287 : f32 to vector<16xf32>
    %add3A_289 = arith.addf %mul3A_286, %add3A_288 : vector<16xf32>
    %sub3A_290 = arith.constant 0x4B000000 : f32
    %sub3A_291 = vector.broadcast %sub3A_290 : f32 to vector<16xf32>
    %sub3A_292 = arith.subf %add3A_289, %sub3A_291 : vector<16xf32>
    %convert_element_type3A_293 = arith.fptosi %sub3A_292 : vector<16xf32> to vector<16xi32>
    %gather3A_294 = tpu.vector_load_idx %arg5[%convert_element_type3A_293] : memref<1001xf32, #tpu.memory_space<vmem>>[vector<16xi32>], vector<16xf32>,
    %swap3A_295 = arith.constant 304 : index
    %swap3A_296 = tpu.vector_load %arg6[%swap3A_295] {strides = array<i32>} : memref<1024xf32, #tpu.memory_space<vmem>>, vector<16xf32>,
    tpu.vector_store %arg6[%swap3A_295], %gather3A_294 {strides = array<i32>} : memref<1024xf32, #tpu.memory_space<vmem>>, vector<16xf32>,
    %get3A_297 = arith.constant 320 : index
    %get3A_298 = tpu.vector_load %arg6[%get3A_297] {strides = array<i32>} : memref<1024xf32, #tpu.memory_space<vmem>>, vector<16xf32>,
    %mul3A_299 = arith.constant 1.000000e+03 : f32
    %mul3A_300 = vector.broadcast %mul3A_299 : f32 to vector<16xf32>
    %mul3A_301 = arith.mulf %get3A_298, %mul3A_300 : vector<16xf32>
    %add3A_302 = arith.constant 0x4B000000 : f32
    %add3A_303 = vector.broadcast %add3A_302 : f32 to vector<16xf32>
    %add3A_304 = arith.addf %mul3A_301, %add3A_303 : vector<16xf32>
    %sub3A_305 = arith.constant 0x4B000000 : f32
    %sub3A_306 = vector.broadcast %sub3A_305 : f32 to vector<16xf32>
    %sub3A_307 = arith.subf %add3A_304, %sub3A_306 : vector<16xf32>
    %convert_element_type3A_308 = arith.fptosi %sub3A_307 : vector<16xf32> to vector<16xi32>
    %gather3A_309 = tpu.vector_load_idx %arg5[%convert_element_type3A_308] : memref<1001xf32, #tpu.memory_space<vmem>>[vector<16xi32>], vector<16xf32>,
    %swap3A_310 = arith.constant 320 : index
    %swap3A_311 = tpu.vector_load %arg6[%swap3A_310] {strides = array<i32>} : memref<1024xf32, #tpu.memory_space<vmem>>, vector<16xf32>,
    tpu.vector_store %arg6[%swap3A_310], %gather3A_309 {strides = array<i32>} : memref<1024xf32, #tpu.memory_space<vmem>>, vector<16xf32>,
    %get3A_312 = arith.constant 336 : index
    %get3A_313 = tpu.vector_load %arg6[%get3A_312] {strides = array<i32>} : memref<1024xf32, #tpu.memory_space<vmem>>, vector<16xf32>,
    %mul3A_314 = arith.constant 1.000000e+03 : f32
    %mul3A_315 = vector.broadcast %mul3A_314 : f32 to vector<16xf32>
    %mul3A_316 = arith.mulf %get3A_313, %mul3A_315 : vector<16xf32>
    %add3A_317 = arith.constant 0x4B000000 : f32
    %add3A_318 = vector.broadcast %add3A_317 : f32 to vector<16xf32>
    %add3A_319 = arith.addf %mul3A_316, %add3A_318 : vector<16xf32>
    %sub3A_320 = arith.constant 0x4B000000 : f32
    %sub3A_321 = vector.broadcast %sub3A_320 : f32 to vector<16xf32>
    %sub3A_322 = arith.subf %add3A_319, %sub3A_321 : vector<16xf32>
    %convert_element_type3A_323 = arith.fptosi %sub3A_322 : vector<16xf32> to vector<16xi32>
    %gather3A_324 = tpu.vector_load_idx %arg5[%convert_element_type3A_323] : memref<1001xf32, #tpu.memory_space<vmem>>[vector<16xi32>], vector<16xf32>,
    %swap3A_325 = arith.constant 336 : index
    %swap3A_326 = tpu.vector_load %arg6[%swap3A_325] {strides = array<i32>} : memref<1024xf32, #tpu.memory_space<vmem>>, vector<16xf32>,
    tpu.vector_store %arg6[%swap3A_325], %gather3A_324 {strides = array<i32>} : memref<1024xf32, #tpu.memory_space<vmem>>, vector<16xf32>,
    %get3A_327 = arith.constant 352 : index
    %get3A_328 = tpu.vector_load %arg6[%get3A_327] {strides = array<i32>} : memref<1024xf32, #tpu.memory_space<vmem>>, vector<16xf32>,
    %mul3A_329 = arith.constant 1.000000e+03 : f32
    %mul3A_330 = vector.broadcast %mul3A_329 : f32 to vector<16xf32>
    %mul3A_331 = arith.mulf %get3A_328, %mul3A_330 : vector<16xf32>
    %add3A_332 = arith.constant 0x4B000000 : f32
    %add3A_333 = vector.broadcast %add3A_332 : f32 to vector<16xf32>
    %add3A_334 = arith.addf %mul3A_331, %add3A_333 : vector<16xf32>
    %sub3A_335 = arith.constant 0x4B000000 : f32
    %sub3A_336 = vector.broadcast %sub3A_335 : f32 to vector<16xf32>
    %sub3A_337 = arith.subf %add3A_334, %sub3A_336 : vector<16xf32>
    %convert_element_type3A_338 = arith.fptosi %sub3A_337 : vector<16xf32> to vector<16xi32>
    %gather3A_339 = tpu.vector_load_idx %arg5[%convert_element_type3A_338] : memref<1001xf32, #tpu.memory_space<vmem>>[vector<16xi32>], vector<16xf32>,
    %swap3A_340 = arith.constant 352 : index
    %swap3A_341 = tpu.vector_load %arg6[%swap3A_340] {strides = array<i32>} : memref<1024xf32, #tpu.memory_space<vmem>>, vector<16xf32>,
    tpu.vector_store %arg6[%swap3A_340], %gather3A_339 {strides = array<i32>} : memref<1024xf32, #tpu.memory_space<vmem>>, vector<16xf32>,
    %get3A_342 = arith.constant 368 : index
    %get3A_343 = tpu.vector_load %arg6[%get3A_342] {strides = array<i32>} : memref<1024xf32, #tpu.memory_space<vmem>>, vector<16xf32>,
    %mul3A_344 = arith.constant 1.000000e+03 : f32
    %mul3A_345 = vector.broadcast %mul3A_344 : f32 to vector<16xf32>
    %mul3A_346 = arith.mulf %get3A_343, %mul3A_345 : vector<16xf32>
    %add3A_347 = arith.constant 0x4B000000 : f32
    %add3A_348 = vector.broadcast %add3A_347 : f32 to vector<16xf32>
    %add3A_349 = arith.addf %mul3A_346, %add3A_348 : vector<16xf32>
    %sub3A_350 = arith.constant 0x4B000000 : f32
    %sub3A_351 = vector.broadcast %sub3A_350 : f32 to vector<16xf32>
    %sub3A_352 = arith.subf %add3A_349, %sub3A_351 : vector<16xf32>
    %convert_element_type3A_353 = arith.fptosi %sub3A_352 : vector<16xf32> to vector<16xi32>
    %gather3A_354 = tpu.vector_load_idx %arg5[%convert_element_type3A_353] : memref<1001xf32, #tpu.memory_space<vmem>>[vector<16xi32>], vector<16xf32>,
    %swap3A_355 = arith.constant 368 : index
    %swap3A_356 = tpu.vector_load %arg6[%swap3A_355] {strides = array<i32>} : memref<1024xf32, #tpu.memory_space<vmem>>, vector<16xf32>,
    tpu.vector_store %arg6[%swap3A_355], %gather3A_354 {strides = array<i32>} : memref<1024xf32, #tpu.memory_space<vmem>>, vector<16xf32>,
    %get3A_357 = arith.constant 384 : index
    %get3A_358 = tpu.vector_load %arg6[%get3A_357] {strides = array<i32>} : memref<1024xf32, #tpu.memory_space<vmem>>, vector<16xf32>,
    %mul3A_359 = arith.constant 1.000000e+03 : f32
    %mul3A_360 = vector.broadcast %mul3A_359 : f32 to vector<16xf32>
    %mul3A_361 = arith.mulf %get3A_358, %mul3A_360 : vector<16xf32>
    %add3A_362 = arith.constant 0x4B000000 : f32
    %add3A_363 = vector.broadcast %add3A_362 : f32 to vector<16xf32>
    %add3A_364 = arith.addf %mul3A_361, %add3A_363 : vector<16xf32>
    %sub3A_365 = arith.constant 0x4B000000 : f32
    %sub3A_366 = vector.broadcast %sub3A_365 : f32 to vector<16xf32>
    %sub3A_367 = arith.subf %add3A_364, %sub3A_366 : vector<16xf32>
    %convert_element_type3A_368 = arith.fptosi %sub3A_367 : vector<16xf32> to vector<16xi32>
    %gather3A_369 = tpu.vector_load_idx %arg5[%convert_element_type3A_368] : memref<1001xf32, #tpu.memory_space<vmem>>[vector<16xi32>], vector<16xf32>,
    %swap3A_370 = arith.constant 384 : index
    %swap3A_371 = tpu.vector_load %arg6[%swap3A_370] {strides = array<i32>} : memref<1024xf32, #tpu.memory_space<vmem>>, vector<16xf32>,
    tpu.vector_store %arg6[%swap3A_370], %gather3A_369 {strides = array<i32>} : memref<1024xf32, #tpu.memory_space<vmem>>, vector<16xf32>,
    %get3A_372 = arith.constant 400 : index
    %get3A_373 = tpu.vector_load %arg6[%get3A_372] {strides = array<i32>} : memref<1024xf32, #tpu.memory_space<vmem>>, vector<16xf32>,
    %mul3A_374 = arith.constant 1.000000e+03 : f32
    %mul3A_375 = vector.broadcast %mul3A_374 : f32 to vector<16xf32>
    %mul3A_376 = arith.mulf %get3A_373, %mul3A_375 : vector<16xf32>
    %add3A_377 = arith.constant 0x4B000000 : f32
    %add3A_378 = vector.broadcast %add3A_377 : f32 to vector<16xf32>
    %add3A_379 = arith.addf %mul3A_376, %add3A_378 : vector<16xf32>
    %sub3A_380 = arith.constant 0x4B000000 : f32
    %sub3A_381 = vector.broadcast %sub3A_380 : f32 to vector<16xf32>
    %sub3A_382 = arith.subf %add3A_379, %sub3A_381 : vector<16xf32>
    %convert_element_type3A_383 = arith.fptosi %sub3A_382 : vector<16xf32> to vector<16xi32>
    %gather3A_384 = tpu.vector_load_idx %arg5[%convert_element_type3A_383] : memref<1001xf32, #tpu.memory_space<vmem>>[vector<16xi32>], vector<16xf32>,
    %swap3A_385 = arith.constant 400 : index
    %swap3A_386 = tpu.vector_load %arg6[%swap3A_385] {strides = array<i32>} : memref<1024xf32, #tpu.memory_space<vmem>>, vector<16xf32>,
    tpu.vector_store %arg6[%swap3A_385], %gather3A_384 {strides = array<i32>} : memref<1024xf32, #tpu.memory_space<vmem>>, vector<16xf32>,
    %get3A_387 = arith.constant 416 : index
    %get3A_388 = tpu.vector_load %arg6[%get3A_387] {strides = array<i32>} : memref<1024xf32, #tpu.memory_space<vmem>>, vector<16xf32>,
    %mul3A_389 = arith.constant 1.000000e+03 : f32
    %mul3A_390 = vector.broadcast %mul3A_389 : f32 to vector<16xf32>
    %mul3A_391 = arith.mulf %get3A_388, %mul3A_390 : vector<16xf32>
    %add3A_392 = arith.constant 0x4B000000 : f32
    %add3A_393 = vector.broadcast %add3A_392 : f32 to vector<16xf32>
    %add3A_394 = arith.addf %mul3A_391, %add3A_393 : vector<16xf32>
    %sub3A_395 = arith.constant 0x4B000000 : f32
    %sub3A_396 = vector.broadcast %sub3A_395 : f32 to vector<16xf32>
    %sub3A_397 = arith.subf %add3A_394, %sub3A_396 : vector<16xf32>
    %convert_element_type3A_398 = arith.fptosi %sub3A_397 : vector<16xf32> to vector<16xi32>
    %gather3A_399 = tpu.vector_load_idx %arg5[%convert_element_type3A_398] : memref<1001xf32, #tpu.memory_space<vmem>>[vector<16xi32>], vector<16xf32>,
    %swap3A_400 = arith.constant 416 : index
    %swap3A_401 = tpu.vector_load %arg6[%swap3A_400] {strides = array<i32>} : memref<1024xf32, #tpu.memory_space<vmem>>, vector<16xf32>,
    tpu.vector_store %arg6[%swap3A_400], %gather3A_399 {strides = array<i32>} : memref<1024xf32, #tpu.memory_space<vmem>>, vector<16xf32>,
    %get3A_402 = arith.constant 432 : index
    %get3A_403 = tpu.vector_load %arg6[%get3A_402] {strides = array<i32>} : memref<1024xf32, #tpu.memory_space<vmem>>, vector<16xf32>,
    %mul3A_404 = arith.constant 1.000000e+03 : f32
    %mul3A_405 = vector.broadcast %mul3A_404 : f32 to vector<16xf32>
    %mul3A_406 = arith.mulf %get3A_403, %mul3A_405 : vector<16xf32>
    %add3A_407 = arith.constant 0x4B000000 : f32
    %add3A_408 = vector.broadcast %add3A_407 : f32 to vector<16xf32>
    %add3A_409 = arith.addf %mul3A_406, %add3A_408 : vector<16xf32>
    %sub3A_410 = arith.constant 0x4B000000 : f32
    %sub3A_411 = vector.broadcast %sub3A_410 : f32 to vector<16xf32>
    %sub3A_412 = arith.subf %add3A_409, %sub3A_411 : vector<16xf32>
    %convert_element_type3A_413 = arith.fptosi %sub3A_412 : vector<16xf32> to vector<16xi32>
    %gather3A_414 = tpu.vector_load_idx %arg5[%convert_element_type3A_413] : memref<1001xf32, #tpu.memory_space<vmem>>[vector<16xi32>], vector<16xf32>,
    %swap3A_415 = arith.constant 432 : index
    %swap3A_416 = tpu.vector_load %arg6[%swap3A_415] {strides = array<i32>} : memref<1024xf32, #tpu.memory_space<vmem>>, vector<16xf32>,
    tpu.vector_store %arg6[%swap3A_415], %gather3A_414 {strides = array<i32>} : memref<1024xf32, #tpu.memory_space<vmem>>, vector<16xf32>,
    %get3A_417 = arith.constant 448 : index
    %get3A_418 = tpu.vector_load %arg6[%get3A_417] {strides = array<i32>} : memref<1024xf32, #tpu.memory_space<vmem>>, vector<16xf32>,
    %mul3A_419 = arith.constant 1.000000e+03 : f32
    %mul3A_420 = vector.broadcast %mul3A_419 : f32 to vector<16xf32>
    %mul3A_421 = arith.mulf %get3A_418, %mul3A_420 : vector<16xf32>
    %add3A_422 = arith.constant 0x4B000000 : f32
    %add3A_423 = vector.broadcast %add3A_422 : f32 to vector<16xf32>
    %add3A_424 = arith.addf %mul3A_421, %add3A_423 : vector<16xf32>
    %sub3A_425 = arith.constant 0x4B000000 : f32
    %sub3A_426 = vector.broadcast %sub3A_425 : f32 to vector<16xf32>
    %sub3A_427 = arith.subf %add3A_424, %sub3A_426 : vector<16xf32>
    %convert_element_type3A_428 = arith.fptosi %sub3A_427 : vector<16xf32> to vector<16xi32>
    %gather3A_429 = tpu.vector_load_idx %arg5[%convert_element_type3A_428] : memref<1001xf32, #tpu.memory_space<vmem>>[vector<16xi32>], vector<16xf32>,
    %swap3A_430 = arith.constant 448 : index
    %swap3A_431 = tpu.vector_load %arg6[%swap3A_430] {strides = array<i32>} : memref<1024xf32, #tpu.memory_space<vmem>>, vector<16xf32>,
    tpu.vector_store %arg6[%swap3A_430], %gather3A_429 {strides = array<i32>} : memref<1024xf32, #tpu.memory_space<vmem>>, vector<16xf32>,
    %get3A_432 = arith.constant 464 : index
    %get3A_433 = tpu.vector_load %arg6[%get3A_432] {strides = array<i32>} : memref<1024xf32, #tpu.memory_space<vmem>>, vector<16xf32>,
    %mul3A_434 = arith.constant 1.000000e+03 : f32
    %mul3A_435 = vector.broadcast %mul3A_434 : f32 to vector<16xf32>
    %mul3A_436 = arith.mulf %get3A_433, %mul3A_435 : vector<16xf32>
    %add3A_437 = arith.constant 0x4B000000 : f32
    %add3A_438 = vector.broadcast %add3A_437 : f32 to vector<16xf32>
    %add3A_439 = arith.addf %mul3A_436, %add3A_438 : vector<16xf32>
    %sub3A_440 = arith.constant 0x4B000000 : f32
    %sub3A_441 = vector.broadcast %sub3A_440 : f32 to vector<16xf32>
    %sub3A_442 = arith.subf %add3A_439, %sub3A_441 : vector<16xf32>
    %convert_element_type3A_443 = arith.fptosi %sub3A_442 : vector<16xf32> to vector<16xi32>
    %gather3A_444 = tpu.vector_load_idx %arg5[%convert_element_type3A_443] : memref<1001xf32, #tpu.memory_space<vmem>>[vector<16xi32>], vector<16xf32>,
    %swap3A_445 = arith.constant 464 : index
    %swap3A_446 = tpu.vector_load %arg6[%swap3A_445] {strides = array<i32>} : memref<1024xf32, #tpu.memory_space<vmem>>, vector<16xf32>,
    tpu.vector_store %arg6[%swap3A_445], %gather3A_444 {strides = array<i32>} : memref<1024xf32, #tpu.memory_space<vmem>>, vector<16xf32>,
    %get3A_447 = arith.constant 480 : index
    %get3A_448 = tpu.vector_load %arg6[%get3A_447] {strides = array<i32>} : memref<1024xf32, #tpu.memory_space<vmem>>, vector<16xf32>,
    %mul3A_449 = arith.constant 1.000000e+03 : f32
    %mul3A_450 = vector.broadcast %mul3A_449 : f32 to vector<16xf32>
    %mul3A_451 = arith.mulf %get3A_448, %mul3A_450 : vector<16xf32>
    %add3A_452 = arith.constant 0x4B000000 : f32
    %add3A_453 = vector.broadcast %add3A_452 : f32 to vector<16xf32>
    %add3A_454 = arith.addf %mul3A_451, %add3A_453 : vector<16xf32>
    %sub3A_455 = arith.constant 0x4B000000 : f32
    %sub3A_456 = vector.broadcast %sub3A_455 : f32 to vector<16xf32>
    %sub3A_457 = arith.subf %add3A_454, %sub3A_456 : vector<16xf32>
    %convert_element_type3A_458 = arith.fptosi %sub3A_457 : vector<16xf32> to vector<16xi32>
    %gather3A_459 = tpu.vector_load_idx %arg5[%convert_element_type3A_458] : memref<1001xf32, #tpu.memory_space<vmem>>[vector<16xi32>], vector<16xf32>,
    %swap3A_460 = arith.constant 480 : index
    %swap3A_461 = tpu.vector_load %arg6[%swap3A_460] {strides = array<i32>} : memref<1024xf32, #tpu.memory_space<vmem>>, vector<16xf32>,
    tpu.vector_store %arg6[%swap3A_460], %gather3A_459 {strides = array<i32>} : memref<1024xf32, #tpu.memory_space<vmem>>, vector<16xf32>,
    %get3A_462 = arith.constant 496 : index
    %get3A_463 = tpu.vector_load %arg6[%get3A_462] {strides = array<i32>} : memref<1024xf32, #tpu.memory_space<vmem>>, vector<16xf32>,
    %mul3A_464 = arith.constant 1.000000e+03 : f32
    %mul3A_465 = vector.broadcast %mul3A_464 : f32 to vector<16xf32>
    %mul3A_466 = arith.mulf %get3A_463, %mul3A_465 : vector<16xf32>
    %add3A_467 = arith.constant 0x4B000000 : f32
    %add3A_468 = vector.broadcast %add3A_467 : f32 to vector<16xf32>
    %add3A_469 = arith.addf %mul3A_466, %add3A_468 : vector<16xf32>
    %sub3A_470 = arith.constant 0x4B000000 : f32
    %sub3A_471 = vector.broadcast %sub3A_470 : f32 to vector<16xf32>
    %sub3A_472 = arith.subf %add3A_469, %sub3A_471 : vector<16xf32>
    %convert_element_type3A_473 = arith.fptosi %sub3A_472 : vector<16xf32> to vector<16xi32>
    %gather3A_474 = tpu.vector_load_idx %arg5[%convert_element_type3A_473] : memref<1001xf32, #tpu.memory_space<vmem>>[vector<16xi32>], vector<16xf32>,
    %swap3A_475 = arith.constant 496 : index
    %swap3A_476 = tpu.vector_load %arg6[%swap3A_475] {strides = array<i32>} : memref<1024xf32, #tpu.memory_space<vmem>>, vector<16xf32>,
    tpu.vector_store %arg6[%swap3A_475], %gather3A_474 {strides = array<i32>} : memref<1024xf32, #tpu.memory_space<vmem>>, vector<16xf32>,
    %get3A_477 = arith.constant 512 : index
    %get3A_478 = tpu.vector_load %arg6[%get3A_477] {strides = array<i32>} : memref<1024xf32, #tpu.memory_space<vmem>>, vector<16xf32>,
    %mul3A_479 = arith.constant 1.000000e+03 : f32
    %mul3A_480 = vector.broadcast %mul3A_479 : f32 to vector<16xf32>
    %mul3A_481 = arith.mulf %get3A_478, %mul3A_480 : vector<16xf32>
    %add3A_482 = arith.constant 0x4B000000 : f32
    %add3A_483 = vector.broadcast %add3A_482 : f32 to vector<16xf32>
    %add3A_484 = arith.addf %mul3A_481, %add3A_483 : vector<16xf32>
    %sub3A_485 = arith.constant 0x4B000000 : f32
    %sub3A_486 = vector.broadcast %sub3A_485 : f32 to vector<16xf32>
    %sub3A_487 = arith.subf %add3A_484, %sub3A_486 : vector<16xf32>
    %convert_element_type3A_488 = arith.fptosi %sub3A_487 : vector<16xf32> to vector<16xi32>
    %gather3A_489 = tpu.vector_load_idx %arg5[%convert_element_type3A_488] : memref<1001xf32, #tpu.memory_space<vmem>>[vector<16xi32>], vector<16xf32>,
    %swap3A_490 = arith.constant 512 : index
    %swap3A_491 = tpu.vector_load %arg6[%swap3A_490] {strides = array<i32>} : memref<1024xf32, #tpu.memory_space<vmem>>, vector<16xf32>,
    tpu.vector_store %arg6[%swap3A_490], %gather3A_489 {strides = array<i32>} : memref<1024xf32, #tpu.memory_space<vmem>>, vector<16xf32>,
    %get3A_492 = arith.constant 528 : index
    %get3A_493 = tpu.vector_load %arg6[%get3A_492] {strides = array<i32>} : memref<1024xf32, #tpu.memory_space<vmem>>, vector<16xf32>,
    %mul3A_494 = arith.constant 1.000000e+03 : f32
    %mul3A_495 = vector.broadcast %mul3A_494 : f32 to vector<16xf32>
    %mul3A_496 = arith.mulf %get3A_493, %mul3A_495 : vector<16xf32>
    %add3A_497 = arith.constant 0x4B000000 : f32
    %add3A_498 = vector.broadcast %add3A_497 : f32 to vector<16xf32>
    %add3A_499 = arith.addf %mul3A_496, %add3A_498 : vector<16xf32>
    %sub3A_500 = arith.constant 0x4B000000 : f32
    %sub3A_501 = vector.broadcast %sub3A_500 : f32 to vector<16xf32>
    %sub3A_502 = arith.subf %add3A_499, %sub3A_501 : vector<16xf32>
    %convert_element_type3A_503 = arith.fptosi %sub3A_502 : vector<16xf32> to vector<16xi32>
    %gather3A_504 = tpu.vector_load_idx %arg5[%convert_element_type3A_503] : memref<1001xf32, #tpu.memory_space<vmem>>[vector<16xi32>], vector<16xf32>,
    %swap3A_505 = arith.constant 528 : index
    %swap3A_506 = tpu.vector_load %arg6[%swap3A_505] {strides = array<i32>} : memref<1024xf32, #tpu.memory_space<vmem>>, vector<16xf32>,
    tpu.vector_store %arg6[%swap3A_505], %gather3A_504 {strides = array<i32>} : memref<1024xf32, #tpu.memory_space<vmem>>, vector<16xf32>,
    %get3A_507 = arith.constant 544 : index
    %get3A_508 = tpu.vector_load %arg6[%get3A_507] {strides = array<i32>} : memref<1024xf32, #tpu.memory_space<vmem>>, vector<16xf32>,
    %mul3A_509 = arith.constant 1.000000e+03 : f32
    %mul3A_510 = vector.broadcast %mul3A_509 : f32 to vector<16xf32>
    %mul3A_511 = arith.mulf %get3A_508, %mul3A_510 : vector<16xf32>
    %add3A_512 = arith.constant 0x4B000000 : f32
    %add3A_513 = vector.broadcast %add3A_512 : f32 to vector<16xf32>
    %add3A_514 = arith.addf %mul3A_511, %add3A_513 : vector<16xf32>
    %sub3A_515 = arith.constant 0x4B000000 : f32
    %sub3A_516 = vector.broadcast %sub3A_515 : f32 to vector<16xf32>
    %sub3A_517 = arith.subf %add3A_514, %sub3A_516 : vector<16xf32>
    %convert_element_type3A_518 = arith.fptosi %sub3A_517 : vector<16xf32> to vector<16xi32>
    %gather3A_519 = tpu.vector_load_idx %arg5[%convert_element_type3A_518] : memref<1001xf32, #tpu.memory_space<vmem>>[vector<16xi32>], vector<16xf32>,
    %swap3A_520 = arith.constant 544 : index
    %swap3A_521 = tpu.vector_load %arg6[%swap3A_520] {strides = array<i32>} : memref<1024xf32, #tpu.memory_space<vmem>>, vector<16xf32>,
    tpu.vector_store %arg6[%swap3A_520], %gather3A_519 {strides = array<i32>} : memref<1024xf32, #tpu.memory_space<vmem>>, vector<16xf32>,
    %get3A_522 = arith.constant 560 : index
    %get3A_523 = tpu.vector_load %arg6[%get3A_522] {strides = array<i32>} : memref<1024xf32, #tpu.memory_space<vmem>>, vector<16xf32>,
    %mul3A_524 = arith.constant 1.000000e+03 : f32
    %mul3A_525 = vector.broadcast %mul3A_524 : f32 to vector<16xf32>
    %mul3A_526 = arith.mulf %get3A_523, %mul3A_525 : vector<16xf32>
    %add3A_527 = arith.constant 0x4B000000 : f32
    %add3A_528 = vector.broadcast %add3A_527 : f32 to vector<16xf32>
    %add3A_529 = arith.addf %mul3A_526, %add3A_528 : vector<16xf32>
    %sub3A_530 = arith.constant 0x4B000000 : f32
    %sub3A_531 = vector.broadcast %sub3A_530 : f32 to vector<16xf32>
    %sub3A_532 = arith.subf %add3A_529, %sub3A_531 : vector<16xf32>
    %convert_element_type3A_533 = arith.fptosi %sub3A_532 : vector<16xf32> to vector<16xi32>
    %gather3A_534 = tpu.vector_load_idx %arg5[%convert_element_type3A_533] : memref<1001xf32, #tpu.memory_space<vmem>>[vector<16xi32>], vector<16xf32>,
    %swap3A_535 = arith.constant 560 : index
    %swap3A_536 = tpu.vector_load %arg6[%swap3A_535] {strides = array<i32>} : memref<1024xf32, #tpu.memory_space<vmem>>, vector<16xf32>,
    tpu.vector_store %arg6[%swap3A_535], %gather3A_534 {strides = array<i32>} : memref<1024xf32, #tpu.memory_space<vmem>>, vector<16xf32>,
    %get3A_537 = arith.constant 576 : index
    %get3A_538 = tpu.vector_load %arg6[%get3A_537] {strides = array<i32>} : memref<1024xf32, #tpu.memory_space<vmem>>, vector<16xf32>,
    %mul3A_539 = arith.constant 1.000000e+03 : f32
    %mul3A_540 = vector.broadcast %mul3A_539 : f32 to vector<16xf32>
    %mul3A_541 = arith.mulf %get3A_538, %mul3A_540 : vector<16xf32>
    %add3A_542 = arith.constant 0x4B000000 : f32
    %add3A_543 = vector.broadcast %add3A_542 : f32 to vector<16xf32>
    %add3A_544 = arith.addf %mul3A_541, %add3A_543 : vector<16xf32>
    %sub3A_545 = arith.constant 0x4B000000 : f32
    %sub3A_546 = vector.broadcast %sub3A_545 : f32 to vector<16xf32>
    %sub3A_547 = arith.subf %add3A_544, %sub3A_546 : vector<16xf32>
    %convert_element_type3A_548 = arith.fptosi %sub3A_547 : vector<16xf32> to vector<16xi32>
    %gather3A_549 = tpu.vector_load_idx %arg5[%convert_element_type3A_548] : memref<1001xf32, #tpu.memory_space<vmem>>[vector<16xi32>], vector<16xf32>,
    %swap3A_550 = arith.constant 576 : index
    %swap3A_551 = tpu.vector_load %arg6[%swap3A_550] {strides = array<i32>} : memref<1024xf32, #tpu.memory_space<vmem>>, vector<16xf32>,
    tpu.vector_store %arg6[%swap3A_550], %gather3A_549 {strides = array<i32>} : memref<1024xf32, #tpu.memory_space<vmem>>, vector<16xf32>,
    %get3A_552 = arith.constant 592 : index
    %get3A_553 = tpu.vector_load %arg6[%get3A_552] {strides = array<i32>} : memref<1024xf32, #tpu.memory_space<vmem>>, vector<16xf32>,
    %mul3A_554 = arith.constant 1.000000e+03 : f32
    %mul3A_555 = vector.broadcast %mul3A_554 : f32 to vector<16xf32>
    %mul3A_556 = arith.mulf %get3A_553, %mul3A_555 : vector<16xf32>
    %add3A_557 = arith.constant 0x4B000000 : f32
    %add3A_558 = vector.broadcast %add3A_557 : f32 to vector<16xf32>
    %add3A_559 = arith.addf %mul3A_556, %add3A_558 : vector<16xf32>
    %sub3A_560 = arith.constant 0x4B000000 : f32
    %sub3A_561 = vector.broadcast %sub3A_560 : f32 to vector<16xf32>
    %sub3A_562 = arith.subf %add3A_559, %sub3A_561 : vector<16xf32>
    %convert_element_type3A_563 = arith.fptosi %sub3A_562 : vector<16xf32> to vector<16xi32>
    %gather3A_564 = tpu.vector_load_idx %arg5[%convert_element_type3A_563] : memref<1001xf32, #tpu.memory_space<vmem>>[vector<16xi32>], vector<16xf32>,
    %swap3A_565 = arith.constant 592 : index
    %swap3A_566 = tpu.vector_load %arg6[%swap3A_565] {strides = array<i32>} : memref<1024xf32, #tpu.memory_space<vmem>>, vector<16xf32>,
    tpu.vector_store %arg6[%swap3A_565], %gather3A_564 {strides = array<i32>} : memref<1024xf32, #tpu.memory_space<vmem>>, vector<16xf32>,
    %get3A_567 = arith.constant 608 : index
    %get3A_568 = tpu.vector_load %arg6[%get3A_567] {strides = array<i32>} : memref<1024xf32, #tpu.memory_space<vmem>>, vector<16xf32>,
    %mul3A_569 = arith.constant 1.000000e+03 : f32
    %mul3A_570 = vector.broadcast %mul3A_569 : f32 to vector<16xf32>
    %mul3A_571 = arith.mulf %get3A_568, %mul3A_570 : vector<16xf32>
    %add3A_572 = arith.constant 0x4B000000 : f32
    %add3A_573 = vector.broadcast %add3A_572 : f32 to vector<16xf32>
    %add3A_574 = arith.addf %mul3A_571, %add3A_573 : vector<16xf32>
    %sub3A_575 = arith.constant 0x4B000000 : f32
    %sub3A_576 = vector.broadcast %sub3A_575 : f32 to vector<16xf32>
    %sub3A_577 = arith.subf %add3A_574, %sub3A_576 : vector<16xf32>
    %convert_element_type3A_578 = arith.fptosi %sub3A_577 : vector<16xf32> to vector<16xi32>
    %gather3A_579 = tpu.vector_load_idx %arg5[%convert_element_type3A_578] : memref<1001xf32, #tpu.memory_space<vmem>>[vector<16xi32>], vector<16xf32>,
    %swap3A_580 = arith.constant 608 : index
    %swap3A_581 = tpu.vector_load %arg6[%swap3A_580] {strides = array<i32>} : memref<1024xf32, #tpu.memory_space<vmem>>, vector<16xf32>,
    tpu.vector_store %arg6[%swap3A_580], %gather3A_579 {strides = array<i32>} : memref<1024xf32, #tpu.memory_space<vmem>>, vector<16xf32>,
    %get3A_582 = arith.constant 624 : index
    %get3A_583 = tpu.vector_load %arg6[%get3A_582] {strides = array<i32>} : memref<1024xf32, #tpu.memory_space<vmem>>, vector<16xf32>,
    %mul3A_584 = arith.constant 1.000000e+03 : f32
    %mul3A_585 = vector.broadcast %mul3A_584 : f32 to vector<16xf32>
    %mul3A_586 = arith.mulf %get3A_583, %mul3A_585 : vector<16xf32>
    %add3A_587 = arith.constant 0x4B000000 : f32
    %add3A_588 = vector.broadcast %add3A_587 : f32 to vector<16xf32>
    %add3A_589 = arith.addf %mul3A_586, %add3A_588 : vector<16xf32>
    %sub3A_590 = arith.constant 0x4B000000 : f32
    %sub3A_591 = vector.broadcast %sub3A_590 : f32 to vector<16xf32>
    %sub3A_592 = arith.subf %add3A_589, %sub3A_591 : vector<16xf32>
    %convert_element_type3A_593 = arith.fptosi %sub3A_592 : vector<16xf32> to vector<16xi32>
    %gather3A_594 = tpu.vector_load_idx %arg5[%convert_element_type3A_593] : memref<1001xf32, #tpu.memory_space<vmem>>[vector<16xi32>], vector<16xf32>,
    %swap3A_595 = arith.constant 624 : index
    %swap3A_596 = tpu.vector_load %arg6[%swap3A_595] {strides = array<i32>} : memref<1024xf32, #tpu.memory_space<vmem>>, vector<16xf32>,
    tpu.vector_store %arg6[%swap3A_595], %gather3A_594 {strides = array<i32>} : memref<1024xf32, #tpu.memory_space<vmem>>, vector<16xf32>,
    %get3A_597 = arith.constant 640 : index
    %get3A_598 = tpu.vector_load %arg6[%get3A_597] {strides = array<i32>} : memref<1024xf32, #tpu.memory_space<vmem>>, vector<16xf32>,
    %mul3A_599 = arith.constant 1.000000e+03 : f32
    %mul3A_600 = vector.broadcast %mul3A_599 : f32 to vector<16xf32>
    %mul3A_601 = arith.mulf %get3A_598, %mul3A_600 : vector<16xf32>
    %add3A_602 = arith.constant 0x4B000000 : f32
    %add3A_603 = vector.broadcast %add3A_602 : f32 to vector<16xf32>
    %add3A_604 = arith.addf %mul3A_601, %add3A_603 : vector<16xf32>
    %sub3A_605 = arith.constant 0x4B000000 : f32
    %sub3A_606 = vector.broadcast %sub3A_605 : f32 to vector<16xf32>
    %sub3A_607 = arith.subf %add3A_604, %sub3A_606 : vector<16xf32>
    %convert_element_type3A_608 = arith.fptosi %sub3A_607 : vector<16xf32> to vector<16xi32>
    %gather3A_609 = tpu.vector_load_idx %arg5[%convert_element_type3A_608] : memref<1001xf32, #tpu.memory_space<vmem>>[vector<16xi32>], vector<16xf32>,
    %swap3A_610 = arith.constant 640 : index
    %swap3A_611 = tpu.vector_load %arg6[%swap3A_610] {strides = array<i32>} : memref<1024xf32, #tpu.memory_space<vmem>>, vector<16xf32>,
    tpu.vector_store %arg6[%swap3A_610], %gather3A_609 {strides = array<i32>} : memref<1024xf32, #tpu.memory_space<vmem>>, vector<16xf32>,
    %get3A_612 = arith.constant 656 : index
    %get3A_613 = tpu.vector_load %arg6[%get3A_612] {strides = array<i32>} : memref<1024xf32, #tpu.memory_space<vmem>>, vector<16xf32>,
    %mul3A_614 = arith.constant 1.000000e+03 : f32
    %mul3A_615 = vector.broadcast %mul3A_614 : f32 to vector<16xf32>
    %mul3A_616 = arith.mulf %get3A_613, %mul3A_615 : vector<16xf32>
    %add3A_617 = arith.constant 0x4B000000 : f32
    %add3A_618 = vector.broadcast %add3A_617 : f32 to vector<16xf32>
    %add3A_619 = arith.addf %mul3A_616, %add3A_618 : vector<16xf32>
    %sub3A_620 = arith.constant 0x4B000000 : f32
    %sub3A_621 = vector.broadcast %sub3A_620 : f32 to vector<16xf32>
    %sub3A_622 = arith.subf %add3A_619, %sub3A_621 : vector<16xf32>
    %convert_element_type3A_623 = arith.fptosi %sub3A_622 : vector<16xf32> to vector<16xi32>
    %gather3A_624 = tpu.vector_load_idx %arg5[%convert_element_type3A_623] : memref<1001xf32, #tpu.memory_space<vmem>>[vector<16xi32>], vector<16xf32>,
    %swap3A_625 = arith.constant 656 : index
    %swap3A_626 = tpu.vector_load %arg6[%swap3A_625] {strides = array<i32>} : memref<1024xf32, #tpu.memory_space<vmem>>, vector<16xf32>,
    tpu.vector_store %arg6[%swap3A_625], %gather3A_624 {strides = array<i32>} : memref<1024xf32, #tpu.memory_space<vmem>>, vector<16xf32>,
    %get3A_627 = arith.constant 672 : index
    %get3A_628 = tpu.vector_load %arg6[%get3A_627] {strides = array<i32>} : memref<1024xf32, #tpu.memory_space<vmem>>, vector<16xf32>,
    %mul3A_629 = arith.constant 1.000000e+03 : f32
    %mul3A_630 = vector.broadcast %mul3A_629 : f32 to vector<16xf32>
    %mul3A_631 = arith.mulf %get3A_628, %mul3A_630 : vector<16xf32>
    %add3A_632 = arith.constant 0x4B000000 : f32
    %add3A_633 = vector.broadcast %add3A_632 : f32 to vector<16xf32>
    %add3A_634 = arith.addf %mul3A_631, %add3A_633 : vector<16xf32>
    %sub3A_635 = arith.constant 0x4B000000 : f32
    %sub3A_636 = vector.broadcast %sub3A_635 : f32 to vector<16xf32>
    %sub3A_637 = arith.subf %add3A_634, %sub3A_636 : vector<16xf32>
    %convert_element_type3A_638 = arith.fptosi %sub3A_637 : vector<16xf32> to vector<16xi32>
    %gather3A_639 = tpu.vector_load_idx %arg5[%convert_element_type3A_638] : memref<1001xf32, #tpu.memory_space<vmem>>[vector<16xi32>], vector<16xf32>,
    %swap3A_640 = arith.constant 672 : index
    %swap3A_641 = tpu.vector_load %arg6[%swap3A_640] {strides = array<i32>} : memref<1024xf32, #tpu.memory_space<vmem>>, vector<16xf32>,
    tpu.vector_store %arg6[%swap3A_640], %gather3A_639 {strides = array<i32>} : memref<1024xf32, #tpu.memory_space<vmem>>, vector<16xf32>,
    %get3A_642 = arith.constant 688 : index
    %get3A_643 = tpu.vector_load %arg6[%get3A_642] {strides = array<i32>} : memref<1024xf32, #tpu.memory_space<vmem>>, vector<16xf32>,
    %mul3A_644 = arith.constant 1.000000e+03 : f32
    %mul3A_645 = vector.broadcast %mul3A_644 : f32 to vector<16xf32>
    %mul3A_646 = arith.mulf %get3A_643, %mul3A_645 : vector<16xf32>
    %add3A_647 = arith.constant 0x4B000000 : f32
    %add3A_648 = vector.broadcast %add3A_647 : f32 to vector<16xf32>
    %add3A_649 = arith.addf %mul3A_646, %add3A_648 : vector<16xf32>
    %sub3A_650 = arith.constant 0x4B000000 : f32
    %sub3A_651 = vector.broadcast %sub3A_650 : f32 to vector<16xf32>
    %sub3A_652 = arith.subf %add3A_649, %sub3A_651 : vector<16xf32>
    %convert_element_type3A_653 = arith.fptosi %sub3A_652 : vector<16xf32> to vector<16xi32>
    %gather3A_654 = tpu.vector_load_idx %arg5[%convert_element_type3A_653] : memref<1001xf32, #tpu.memory_space<vmem>>[vector<16xi32>], vector<16xf32>,
    %swap3A_655 = arith.constant 688 : index
    %swap3A_656 = tpu.vector_load %arg6[%swap3A_655] {strides = array<i32>} : memref<1024xf32, #tpu.memory_space<vmem>>, vector<16xf32>,
    tpu.vector_store %arg6[%swap3A_655], %gather3A_654 {strides = array<i32>} : memref<1024xf32, #tpu.memory_space<vmem>>, vector<16xf32>,
    %get3A_657 = arith.constant 704 : index
    %get3A_658 = tpu.vector_load %arg6[%get3A_657] {strides = array<i32>} : memref<1024xf32, #tpu.memory_space<vmem>>, vector<16xf32>,
    %mul3A_659 = arith.constant 1.000000e+03 : f32
    %mul3A_660 = vector.broadcast %mul3A_659 : f32 to vector<16xf32>
    %mul3A_661 = arith.mulf %get3A_658, %mul3A_660 : vector<16xf32>
    %add3A_662 = arith.constant 0x4B000000 : f32
    %add3A_663 = vector.broadcast %add3A_662 : f32 to vector<16xf32>
    %add3A_664 = arith.addf %mul3A_661, %add3A_663 : vector<16xf32>
    %sub3A_665 = arith.constant 0x4B000000 : f32
    %sub3A_666 = vector.broadcast %sub3A_665 : f32 to vector<16xf32>
    %sub3A_667 = arith.subf %add3A_664, %sub3A_666 : vector<16xf32>
    %convert_element_type3A_668 = arith.fptosi %sub3A_667 : vector<16xf32> to vector<16xi32>
    %gather3A_669 = tpu.vector_load_idx %arg5[%convert_element_type3A_668] : memref<1001xf32, #tpu.memory_space<vmem>>[vector<16xi32>], vector<16xf32>,
    %swap3A_670 = arith.constant 704 : index
    %swap3A_671 = tpu.vector_load %arg6[%swap3A_670] {strides = array<i32>} : memref<1024xf32, #tpu.memory_space<vmem>>, vector<16xf32>,
    tpu.vector_store %arg6[%swap3A_670], %gather3A_669 {strides = array<i32>} : memref<1024xf32, #tpu.memory_space<vmem>>, vector<16xf32>,
    %get3A_672 = arith.constant 720 : index
    %get3A_673 = tpu.vector_load %arg6[%get3A_672] {strides = array<i32>} : memref<1024xf32, #tpu.memory_space<vmem>>, vector<16xf32>,
    %mul3A_674 = arith.constant 1.000000e+03 : f32
    %mul3A_675 = vector.broadcast %mul3A_674 : f32 to vector<16xf32>
    %mul3A_676 = arith.mulf %get3A_673, %mul3A_675 : vector<16xf32>
    %add3A_677 = arith.constant 0x4B000000 : f32
    %add3A_678 = vector.broadcast %add3A_677 : f32 to vector<16xf32>
    %add3A_679 = arith.addf %mul3A_676, %add3A_678 : vector<16xf32>
    %sub3A_680 = arith.constant 0x4B000000 : f32
    %sub3A_681 = vector.broadcast %sub3A_680 : f32 to vector<16xf32>
    %sub3A_682 = arith.subf %add3A_679, %sub3A_681 : vector<16xf32>
    %convert_element_type3A_683 = arith.fptosi %sub3A_682 : vector<16xf32> to vector<16xi32>
    %gather3A_684 = tpu.vector_load_idx %arg5[%convert_element_type3A_683] : memref<1001xf32, #tpu.memory_space<vmem>>[vector<16xi32>], vector<16xf32>,
    %swap3A_685 = arith.constant 720 : index
    %swap3A_686 = tpu.vector_load %arg6[%swap3A_685] {strides = array<i32>} : memref<1024xf32, #tpu.memory_space<vmem>>, vector<16xf32>,
    tpu.vector_store %arg6[%swap3A_685], %gather3A_684 {strides = array<i32>} : memref<1024xf32, #tpu.memory_space<vmem>>, vector<16xf32>,
    %get3A_687 = arith.constant 736 : index
    %get3A_688 = tpu.vector_load %arg6[%get3A_687] {strides = array<i32>} : memref<1024xf32, #tpu.memory_space<vmem>>, vector<16xf32>,
    %mul3A_689 = arith.constant 1.000000e+03 : f32
    %mul3A_690 = vector.broadcast %mul3A_689 : f32 to vector<16xf32>
    %mul3A_691 = arith.mulf %get3A_688, %mul3A_690 : vector<16xf32>
    %add3A_692 = arith.constant 0x4B000000 : f32
    %add3A_693 = vector.broadcast %add3A_692 : f32 to vector<16xf32>
    %add3A_694 = arith.addf %mul3A_691, %add3A_693 : vector<16xf32>
    %sub3A_695 = arith.constant 0x4B000000 : f32
    %sub3A_696 = vector.broadcast %sub3A_695 : f32 to vector<16xf32>
    %sub3A_697 = arith.subf %add3A_694, %sub3A_696 : vector<16xf32>
    %convert_element_type3A_698 = arith.fptosi %sub3A_697 : vector<16xf32> to vector<16xi32>
    %gather3A_699 = tpu.vector_load_idx %arg5[%convert_element_type3A_698] : memref<1001xf32, #tpu.memory_space<vmem>>[vector<16xi32>], vector<16xf32>,
    %swap3A_700 = arith.constant 736 : index
    %swap3A_701 = tpu.vector_load %arg6[%swap3A_700] {strides = array<i32>} : memref<1024xf32, #tpu.memory_space<vmem>>, vector<16xf32>,
    tpu.vector_store %arg6[%swap3A_700], %gather3A_699 {strides = array<i32>} : memref<1024xf32, #tpu.memory_space<vmem>>, vector<16xf32>,
    %get3A_702 = arith.constant 752 : index
    %get3A_703 = tpu.vector_load %arg6[%get3A_702] {strides = array<i32>} : memref<1024xf32, #tpu.memory_space<vmem>>, vector<16xf32>,
    %mul3A_704 = arith.constant 1.000000e+03 : f32
    %mul3A_705 = vector.broadcast %mul3A_704 : f32 to vector<16xf32>
    %mul3A_706 = arith.mulf %get3A_703, %mul3A_705 : vector<16xf32>
    %add3A_707 = arith.constant 0x4B000000 : f32
    %add3A_708 = vector.broadcast %add3A_707 : f32 to vector<16xf32>
    %add3A_709 = arith.addf %mul3A_706, %add3A_708 : vector<16xf32>
    %sub3A_710 = arith.constant 0x4B000000 : f32
    %sub3A_711 = vector.broadcast %sub3A_710 : f32 to vector<16xf32>
    %sub3A_712 = arith.subf %add3A_709, %sub3A_711 : vector<16xf32>
    %convert_element_type3A_713 = arith.fptosi %sub3A_712 : vector<16xf32> to vector<16xi32>
    %gather3A_714 = tpu.vector_load_idx %arg5[%convert_element_type3A_713] : memref<1001xf32, #tpu.memory_space<vmem>>[vector<16xi32>], vector<16xf32>,
    %swap3A_715 = arith.constant 752 : index
    %swap3A_716 = tpu.vector_load %arg6[%swap3A_715] {strides = array<i32>} : memref<1024xf32, #tpu.memory_space<vmem>>, vector<16xf32>,
    tpu.vector_store %arg6[%swap3A_715], %gather3A_714 {strides = array<i32>} : memref<1024xf32, #tpu.memory_space<vmem>>, vector<16xf32>,
    %get3A_717 = arith.constant 768 : index
    %get3A_718 = tpu.vector_load %arg6[%get3A_717] {strides = array<i32>} : memref<1024xf32, #tpu.memory_space<vmem>>, vector<16xf32>,
    %mul3A_719 = arith.constant 1.000000e+03 : f32
    %mul3A_720 = vector.broadcast %mul3A_719 : f32 to vector<16xf32>
    %mul3A_721 = arith.mulf %get3A_718, %mul3A_720 : vector<16xf32>
    %add3A_722 = arith.constant 0x4B000000 : f32
    %add3A_723 = vector.broadcast %add3A_722 : f32 to vector<16xf32>
    %add3A_724 = arith.addf %mul3A_721, %add3A_723 : vector<16xf32>
    %sub3A_725 = arith.constant 0x4B000000 : f32
    %sub3A_726 = vector.broadcast %sub3A_725 : f32 to vector<16xf32>
    %sub3A_727 = arith.subf %add3A_724, %sub3A_726 : vector<16xf32>
    %convert_element_type3A_728 = arith.fptosi %sub3A_727 : vector<16xf32> to vector<16xi32>
    %gather3A_729 = tpu.vector_load_idx %arg5[%convert_element_type3A_728] : memref<1001xf32, #tpu.memory_space<vmem>>[vector<16xi32>], vector<16xf32>,
    %swap3A_730 = arith.constant 768 : index
    %swap3A_731 = tpu.vector_load %arg6[%swap3A_730] {strides = array<i32>} : memref<1024xf32, #tpu.memory_space<vmem>>, vector<16xf32>,
    tpu.vector_store %arg6[%swap3A_730], %gather3A_729 {strides = array<i32>} : memref<1024xf32, #tpu.memory_space<vmem>>, vector<16xf32>,
    %get3A_732 = arith.constant 784 : index
    %get3A_733 = tpu.vector_load %arg6[%get3A_732] {strides = array<i32>} : memref<1024xf32, #tpu.memory_space<vmem>>, vector<16xf32>,
    %mul3A_734 = arith.constant 1.000000e+03 : f32
    %mul3A_735 = vector.broadcast %mul3A_734 : f32 to vector<16xf32>
    %mul3A_736 = arith.mulf %get3A_733, %mul3A_735 : vector<16xf32>
    %add3A_737 = arith.constant 0x4B000000 : f32
    %add3A_738 = vector.broadcast %add3A_737 : f32 to vector<16xf32>
    %add3A_739 = arith.addf %mul3A_736, %add3A_738 : vector<16xf32>
    %sub3A_740 = arith.constant 0x4B000000 : f32
    %sub3A_741 = vector.broadcast %sub3A_740 : f32 to vector<16xf32>
    %sub3A_742 = arith.subf %add3A_739, %sub3A_741 : vector<16xf32>
    %convert_element_type3A_743 = arith.fptosi %sub3A_742 : vector<16xf32> to vector<16xi32>
    %gather3A_744 = tpu.vector_load_idx %arg5[%convert_element_type3A_743] : memref<1001xf32, #tpu.memory_space<vmem>>[vector<16xi32>], vector<16xf32>,
    %swap3A_745 = arith.constant 784 : index
    %swap3A_746 = tpu.vector_load %arg6[%swap3A_745] {strides = array<i32>} : memref<1024xf32, #tpu.memory_space<vmem>>, vector<16xf32>,
    tpu.vector_store %arg6[%swap3A_745], %gather3A_744 {strides = array<i32>} : memref<1024xf32, #tpu.memory_space<vmem>>, vector<16xf32>,
    %get3A_747 = arith.constant 800 : index
    %get3A_748 = tpu.vector_load %arg6[%get3A_747] {strides = array<i32>} : memref<1024xf32, #tpu.memory_space<vmem>>, vector<16xf32>,
    %mul3A_749 = arith.constant 1.000000e+03 : f32
    %mul3A_750 = vector.broadcast %mul3A_749 : f32 to vector<16xf32>
    %mul3A_751 = arith.mulf %get3A_748, %mul3A_750 : vector<16xf32>
    %add3A_752 = arith.constant 0x4B000000 : f32
    %add3A_753 = vector.broadcast %add3A_752 : f32 to vector<16xf32>
    %add3A_754 = arith.addf %mul3A_751, %add3A_753 : vector<16xf32>
    %sub3A_755 = arith.constant 0x4B000000 : f32
    %sub3A_756 = vector.broadcast %sub3A_755 : f32 to vector<16xf32>
    %sub3A_757 = arith.subf %add3A_754, %sub3A_756 : vector<16xf32>
    %convert_element_type3A_758 = arith.fptosi %sub3A_757 : vector<16xf32> to vector<16xi32>
    %gather3A_759 = tpu.vector_load_idx %arg5[%convert_element_type3A_758] : memref<1001xf32, #tpu.memory_space<vmem>>[vector<16xi32>], vector<16xf32>,
    %swap3A_760 = arith.constant 800 : index
    %swap3A_761 = tpu.vector_load %arg6[%swap3A_760] {strides = array<i32>} : memref<1024xf32, #tpu.memory_space<vmem>>, vector<16xf32>,
    tpu.vector_store %arg6[%swap3A_760], %gather3A_759 {strides = array<i32>} : memref<1024xf32, #tpu.memory_space<vmem>>, vector<16xf32>,
    %get3A_762 = arith.constant 816 : index
    %get3A_763 = tpu.vector_load %arg6[%get3A_762] {strides = array<i32>} : memref<1024xf32, #tpu.memory_space<vmem>>, vector<16xf32>,
    %mul3A_764 = arith.constant 1.000000e+03 : f32
    %mul3A_765 = vector.broadcast %mul3A_764 : f32 to vector<16xf32>
    %mul3A_766 = arith.mulf %get3A_763, %mul3A_765 : vector<16xf32>
    %add3A_767 = arith.constant 0x4B000000 : f32
    %add3A_768 = vector.broadcast %add3A_767 : f32 to vector<16xf32>
    %add3A_769 = arith.addf %mul3A_766, %add3A_768 : vector<16xf32>
    %sub3A_770 = arith.constant 0x4B000000 : f32
    %sub3A_771 = vector.broadcast %sub3A_770 : f32 to vector<16xf32>
    %sub3A_772 = arith.subf %add3A_769, %sub3A_771 : vector<16xf32>
    %convert_element_type3A_773 = arith.fptosi %sub3A_772 : vector<16xf32> to vector<16xi32>
    %gather3A_774 = tpu.vector_load_idx %arg5[%convert_element_type3A_773] : memref<1001xf32, #tpu.memory_space<vmem>>[vector<16xi32>], vector<16xf32>,
    %swap3A_775 = arith.constant 816 : index
    %swap3A_776 = tpu.vector_load %arg6[%swap3A_775] {strides = array<i32>} : memref<1024xf32, #tpu.memory_space<vmem>>, vector<16xf32>,
    tpu.vector_store %arg6[%swap3A_775], %gather3A_774 {strides = array<i32>} : memref<1024xf32, #tpu.memory_space<vmem>>, vector<16xf32>,
    %get3A_777 = arith.constant 832 : index
    %get3A_778 = tpu.vector_load %arg6[%get3A_777] {strides = array<i32>} : memref<1024xf32, #tpu.memory_space<vmem>>, vector<16xf32>,
    %mul3A_779 = arith.constant 1.000000e+03 : f32
    %mul3A_780 = vector.broadcast %mul3A_779 : f32 to vector<16xf32>
    %mul3A_781 = arith.mulf %get3A_778, %mul3A_780 : vector<16xf32>
    %add3A_782 = arith.constant 0x4B000000 : f32
    %add3A_783 = vector.broadcast %add3A_782 : f32 to vector<16xf32>
    %add3A_784 = arith.addf %mul3A_781, %add3A_783 : vector<16xf32>
    %sub3A_785 = arith.constant 0x4B000000 : f32
    %sub3A_786 = vector.broadcast %sub3A_785 : f32 to vector<16xf32>
    %sub3A_787 = arith.subf %add3A_784, %sub3A_786 : vector<16xf32>
    %convert_element_type3A_788 = arith.fptosi %sub3A_787 : vector<16xf32> to vector<16xi32>
    %gather3A_789 = tpu.vector_load_idx %arg5[%convert_element_type3A_788] : memref<1001xf32, #tpu.memory_space<vmem>>[vector<16xi32>], vector<16xf32>,
    %swap3A_790 = arith.constant 832 : index
    %swap3A_791 = tpu.vector_load %arg6[%swap3A_790] {strides = array<i32>} : memref<1024xf32, #tpu.memory_space<vmem>>, vector<16xf32>,
    tpu.vector_store %arg6[%swap3A_790], %gather3A_789 {strides = array<i32>} : memref<1024xf32, #tpu.memory_space<vmem>>, vector<16xf32>,
    %get3A_792 = arith.constant 848 : index
    %get3A_793 = tpu.vector_load %arg6[%get3A_792] {strides = array<i32>} : memref<1024xf32, #tpu.memory_space<vmem>>, vector<16xf32>,
    %mul3A_794 = arith.constant 1.000000e+03 : f32
    %mul3A_795 = vector.broadcast %mul3A_794 : f32 to vector<16xf32>
    %mul3A_796 = arith.mulf %get3A_793, %mul3A_795 : vector<16xf32>
    %add3A_797 = arith.constant 0x4B000000 : f32
    %add3A_798 = vector.broadcast %add3A_797 : f32 to vector<16xf32>
    %add3A_799 = arith.addf %mul3A_796, %add3A_798 : vector<16xf32>
    %sub3A_800 = arith.constant 0x4B000000 : f32
    %sub3A_801 = vector.broadcast %sub3A_800 : f32 to vector<16xf32>
    %sub3A_802 = arith.subf %add3A_799, %sub3A_801 : vector<16xf32>
    %convert_element_type3A_803 = arith.fptosi %sub3A_802 : vector<16xf32> to vector<16xi32>
    %gather3A_804 = tpu.vector_load_idx %arg5[%convert_element_type3A_803] : memref<1001xf32, #tpu.memory_space<vmem>>[vector<16xi32>], vector<16xf32>,
    %swap3A_805 = arith.constant 848 : index
    %swap3A_806 = tpu.vector_load %arg6[%swap3A_805] {strides = array<i32>} : memref<1024xf32, #tpu.memory_space<vmem>>, vector<16xf32>,
    tpu.vector_store %arg6[%swap3A_805], %gather3A_804 {strides = array<i32>} : memref<1024xf32, #tpu.memory_space<vmem>>, vector<16xf32>,
    %get3A_807 = arith.constant 864 : index
    %get3A_808 = tpu.vector_load %arg6[%get3A_807] {strides = array<i32>} : memref<1024xf32, #tpu.memory_space<vmem>>, vector<16xf32>,
    %mul3A_809 = arith.constant 1.000000e+03 : f32
    %mul3A_810 = vector.broadcast %mul3A_809 : f32 to vector<16xf32>
    %mul3A_811 = arith.mulf %get3A_808, %mul3A_810 : vector<16xf32>
    %add3A_812 = arith.constant 0x4B000000 : f32
    %add3A_813 = vector.broadcast %add3A_812 : f32 to vector<16xf32>
    %add3A_814 = arith.addf %mul3A_811, %add3A_813 : vector<16xf32>
    %sub3A_815 = arith.constant 0x4B000000 : f32
    %sub3A_816 = vector.broadcast %sub3A_815 : f32 to vector<16xf32>
    %sub3A_817 = arith.subf %add3A_814, %sub3A_816 : vector<16xf32>
    %convert_element_type3A_818 = arith.fptosi %sub3A_817 : vector<16xf32> to vector<16xi32>
    %gather3A_819 = tpu.vector_load_idx %arg5[%convert_element_type3A_818] : memref<1001xf32, #tpu.memory_space<vmem>>[vector<16xi32>], vector<16xf32>,
    %swap3A_820 = arith.constant 864 : index
    %swap3A_821 = tpu.vector_load %arg6[%swap3A_820] {strides = array<i32>} : memref<1024xf32, #tpu.memory_space<vmem>>, vector<16xf32>,
    tpu.vector_store %arg6[%swap3A_820], %gather3A_819 {strides = array<i32>} : memref<1024xf32, #tpu.memory_space<vmem>>, vector<16xf32>,
    %get3A_822 = arith.constant 880 : index
    %get3A_823 = tpu.vector_load %arg6[%get3A_822] {strides = array<i32>} : memref<1024xf32, #tpu.memory_space<vmem>>, vector<16xf32>,
    %mul3A_824 = arith.constant 1.000000e+03 : f32
    %mul3A_825 = vector.broadcast %mul3A_824 : f32 to vector<16xf32>
    %mul3A_826 = arith.mulf %get3A_823, %mul3A_825 : vector<16xf32>
    %add3A_827 = arith.constant 0x4B000000 : f32
    %add3A_828 = vector.broadcast %add3A_827 : f32 to vector<16xf32>
    %add3A_829 = arith.addf %mul3A_826, %add3A_828 : vector<16xf32>
    %sub3A_830 = arith.constant 0x4B000000 : f32
    %sub3A_831 = vector.broadcast %sub3A_830 : f32 to vector<16xf32>
    %sub3A_832 = arith.subf %add3A_829, %sub3A_831 : vector<16xf32>
    %convert_element_type3A_833 = arith.fptosi %sub3A_832 : vector<16xf32> to vector<16xi32>
    %gather3A_834 = tpu.vector_load_idx %arg5[%convert_element_type3A_833] : memref<1001xf32, #tpu.memory_space<vmem>>[vector<16xi32>], vector<16xf32>,
    %swap3A_835 = arith.constant 880 : index
    %swap3A_836 = tpu.vector_load %arg6[%swap3A_835] {strides = array<i32>} : memref<1024xf32, #tpu.memory_space<vmem>>, vector<16xf32>,
    tpu.vector_store %arg6[%swap3A_835], %gather3A_834 {strides = array<i32>} : memref<1024xf32, #tpu.memory_space<vmem>>, vector<16xf32>,
    %get3A_837 = arith.constant 896 : index
    %get3A_838 = tpu.vector_load %arg6[%get3A_837] {strides = array<i32>} : memref<1024xf32, #tpu.memory_space<vmem>>, vector<16xf32>,
    %mul3A_839 = arith.constant 1.000000e+03 : f32
    %mul3A_840 = vector.broadcast %mul3A_839 : f32 to vector<16xf32>
    %mul3A_841 = arith.mulf %get3A_838, %mul3A_840 : vector<16xf32>
    %add3A_842 = arith.constant 0x4B000000 : f32
    %add3A_843 = vector.broadcast %add3A_842 : f32 to vector<16xf32>
    %add3A_844 = arith.addf %mul3A_841, %add3A_843 : vector<16xf32>
    %sub3A_845 = arith.constant 0x4B000000 : f32
    %sub3A_846 = vector.broadcast %sub3A_845 : f32 to vector<16xf32>
    %sub3A_847 = arith.subf %add3A_844, %sub3A_846 : vector<16xf32>
    %convert_element_type3A_848 = arith.fptosi %sub3A_847 : vector<16xf32> to vector<16xi32>
    %gather3A_849 = tpu.vector_load_idx %arg5[%convert_element_type3A_848] : memref<1001xf32, #tpu.memory_space<vmem>>[vector<16xi32>], vector<16xf32>,
    %swap3A_850 = arith.constant 896 : index
    %swap3A_851 = tpu.vector_load %arg6[%swap3A_850] {strides = array<i32>} : memref<1024xf32, #tpu.memory_space<vmem>>, vector<16xf32>,
    tpu.vector_store %arg6[%swap3A_850], %gather3A_849 {strides = array<i32>} : memref<1024xf32, #tpu.memory_space<vmem>>, vector<16xf32>,
    %get3A_852 = arith.constant 912 : index
    %get3A_853 = tpu.vector_load %arg6[%get3A_852] {strides = array<i32>} : memref<1024xf32, #tpu.memory_space<vmem>>, vector<16xf32>,
    %mul3A_854 = arith.constant 1.000000e+03 : f32
    %mul3A_855 = vector.broadcast %mul3A_854 : f32 to vector<16xf32>
    %mul3A_856 = arith.mulf %get3A_853, %mul3A_855 : vector<16xf32>
    %add3A_857 = arith.constant 0x4B000000 : f32
    %add3A_858 = vector.broadcast %add3A_857 : f32 to vector<16xf32>
    %add3A_859 = arith.addf %mul3A_856, %add3A_858 : vector<16xf32>
    %sub3A_860 = arith.constant 0x4B000000 : f32
    %sub3A_861 = vector.broadcast %sub3A_860 : f32 to vector<16xf32>
    %sub3A_862 = arith.subf %add3A_859, %sub3A_861 : vector<16xf32>
    %convert_element_type3A_863 = arith.fptosi %sub3A_862 : vector<16xf32> to vector<16xi32>
    %gather3A_864 = tpu.vector_load_idx %arg5[%convert_element_type3A_863] : memref<1001xf32, #tpu.memory_space<vmem>>[vector<16xi32>], vector<16xf32>,
    %swap3A_865 = arith.constant 912 : index
    %swap3A_866 = tpu.vector_load %arg6[%swap3A_865] {strides = array<i32>} : memref<1024xf32, #tpu.memory_space<vmem>>, vector<16xf32>,
    tpu.vector_store %arg6[%swap3A_865], %gather3A_864 {strides = array<i32>} : memref<1024xf32, #tpu.memory_space<vmem>>, vector<16xf32>,
    %get3A_867 = arith.constant 928 : index
    %get3A_868 = tpu.vector_load %arg6[%get3A_867] {strides = array<i32>} : memref<1024xf32, #tpu.memory_space<vmem>>, vector<16xf32>,
    %mul3A_869 = arith.constant 1.000000e+03 : f32
    %mul3A_870 = vector.broadcast %mul3A_869 : f32 to vector<16xf32>
    %mul3A_871 = arith.mulf %get3A_868, %mul3A_870 : vector<16xf32>
    %add3A_872 = arith.constant 0x4B000000 : f32
    %add3A_873 = vector.broadcast %add3A_872 : f32 to vector<16xf32>
    %add3A_874 = arith.addf %mul3A_871, %add3A_873 : vector<16xf32>
    %sub3A_875 = arith.constant 0x4B000000 : f32
    %sub3A_876 = vector.broadcast %sub3A_875 : f32 to vector<16xf32>
    %sub3A_877 = arith.subf %add3A_874, %sub3A_876 : vector<16xf32>
    %convert_element_type3A_878 = arith.fptosi %sub3A_877 : vector<16xf32> to vector<16xi32>
    %gather3A_879 = tpu.vector_load_idx %arg5[%convert_element_type3A_878] : memref<1001xf32, #tpu.memory_space<vmem>>[vector<16xi32>], vector<16xf32>,
    %swap3A_880 = arith.constant 928 : index
    %swap3A_881 = tpu.vector_load %arg6[%swap3A_880] {strides = array<i32>} : memref<1024xf32, #tpu.memory_space<vmem>>, vector<16xf32>,
    tpu.vector_store %arg6[%swap3A_880], %gather3A_879 {strides = array<i32>} : memref<1024xf32, #tpu.memory_space<vmem>>, vector<16xf32>,
    %get3A_882 = arith.constant 944 : index
    %get3A_883 = tpu.vector_load %arg6[%get3A_882] {strides = array<i32>} : memref<1024xf32, #tpu.memory_space<vmem>>, vector<16xf32>,
    %mul3A_884 = arith.constant 1.000000e+03 : f32
    %mul3A_885 = vector.broadcast %mul3A_884 : f32 to vector<16xf32>
    %mul3A_886 = arith.mulf %get3A_883, %mul3A_885 : vector<16xf32>
    %add3A_887 = arith.constant 0x4B000000 : f32
    %add3A_888 = vector.broadcast %add3A_887 : f32 to vector<16xf32>
    %add3A_889 = arith.addf %mul3A_886, %add3A_888 : vector<16xf32>
    %sub3A_890 = arith.constant 0x4B000000 : f32
    %sub3A_891 = vector.broadcast %sub3A_890 : f32 to vector<16xf32>
    %sub3A_892 = arith.subf %add3A_889, %sub3A_891 : vector<16xf32>
    %convert_element_type3A_893 = arith.fptosi %sub3A_892 : vector<16xf32> to vector<16xi32>
    %gather3A_894 = tpu.vector_load_idx %arg5[%convert_element_type3A_893] : memref<1001xf32, #tpu.memory_space<vmem>>[vector<16xi32>], vector<16xf32>,
    %swap3A_895 = arith.constant 944 : index
    %swap3A_896 = tpu.vector_load %arg6[%swap3A_895] {strides = array<i32>} : memref<1024xf32, #tpu.memory_space<vmem>>, vector<16xf32>,
    tpu.vector_store %arg6[%swap3A_895], %gather3A_894 {strides = array<i32>} : memref<1024xf32, #tpu.memory_space<vmem>>, vector<16xf32>,
    %get3A_897 = arith.constant 960 : index
    %get3A_898 = tpu.vector_load %arg6[%get3A_897] {strides = array<i32>} : memref<1024xf32, #tpu.memory_space<vmem>>, vector<16xf32>,
    %mul3A_899 = arith.constant 1.000000e+03 : f32
    %mul3A_900 = vector.broadcast %mul3A_899 : f32 to vector<16xf32>
    %mul3A_901 = arith.mulf %get3A_898, %mul3A_900 : vector<16xf32>
    %add3A_902 = arith.constant 0x4B000000 : f32
    %add3A_903 = vector.broadcast %add3A_902 : f32 to vector<16xf32>
    %add3A_904 = arith.addf %mul3A_901, %add3A_903 : vector<16xf32>
    %sub3A_905 = arith.constant 0x4B000000 : f32
    %sub3A_906 = vector.broadcast %sub3A_905 : f32 to vector<16xf32>
    %sub3A_907 = arith.subf %add3A_904, %sub3A_906 : vector<16xf32>
    %convert_element_type3A_908 = arith.fptosi %sub3A_907 : vector<16xf32> to vector<16xi32>
    %gather3A_909 = tpu.vector_load_idx %arg5[%convert_element_type3A_908] : memref<1001xf32, #tpu.memory_space<vmem>>[vector<16xi32>], vector<16xf32>,
    %swap3A_910 = arith.constant 960 : index
    %swap3A_911 = tpu.vector_load %arg6[%swap3A_910] {strides = array<i32>} : memref<1024xf32, #tpu.memory_space<vmem>>, vector<16xf32>,
    tpu.vector_store %arg6[%swap3A_910], %gather3A_909 {strides = array<i32>} : memref<1024xf32, #tpu.memory_space<vmem>>, vector<16xf32>,
    %get3A_912 = arith.constant 976 : index
    %get3A_913 = tpu.vector_load %arg6[%get3A_912] {strides = array<i32>} : memref<1024xf32, #tpu.memory_space<vmem>>, vector<16xf32>,
    %mul3A_914 = arith.constant 1.000000e+03 : f32
    %mul3A_915 = vector.broadcast %mul3A_914 : f32 to vector<16xf32>
    %mul3A_916 = arith.mulf %get3A_913, %mul3A_915 : vector<16xf32>
    %add3A_917 = arith.constant 0x4B000000 : f32
    %add3A_918 = vector.broadcast %add3A_917 : f32 to vector<16xf32>
    %add3A_919 = arith.addf %mul3A_916, %add3A_918 : vector<16xf32>
    %sub3A_920 = arith.constant 0x4B000000 : f32
    %sub3A_921 = vector.broadcast %sub3A_920 : f32 to vector<16xf32>
    %sub3A_922 = arith.subf %add3A_919, %sub3A_921 : vector<16xf32>
    %convert_element_type3A_923 = arith.fptosi %sub3A_922 : vector<16xf32> to vector<16xi32>
    %gather3A_924 = tpu.vector_load_idx %arg5[%convert_element_type3A_923] : memref<1001xf32, #tpu.memory_space<vmem>>[vector<16xi32>], vector<16xf32>,
    %swap3A_925 = arith.constant 976 : index
    %swap3A_926 = tpu.vector_load %arg6[%swap3A_925] {strides = array<i32>} : memref<1024xf32, #tpu.memory_space<vmem>>, vector<16xf32>,
    tpu.vector_store %arg6[%swap3A_925], %gather3A_924 {strides = array<i32>} : memref<1024xf32, #tpu.memory_space<vmem>>, vector<16xf32>,
    %get3A_927 = arith.constant 992 : index
    %get3A_928 = tpu.vector_load %arg6[%get3A_927] {strides = array<i32>} : memref<1024xf32, #tpu.memory_space<vmem>>, vector<16xf32>,
    %mul3A_929 = arith.constant 1.000000e+03 : f32
    %mul3A_930 = vector.broadcast %mul3A_929 : f32 to vector<16xf32>
    %mul3A_931 = arith.mulf %get3A_928, %mul3A_930 : vector<16xf32>
    %add3A_932 = arith.constant 0x4B000000 : f32
    %add3A_933 = vector.broadcast %add3A_932 : f32 to vector<16xf32>
    %add3A_934 = arith.addf %mul3A_931, %add3A_933 : vector<16xf32>
    %sub3A_935 = arith.constant 0x4B000000 : f32
    %sub3A_936 = vector.broadcast %sub3A_935 : f32 to vector<16xf32>
    %sub3A_937 = arith.subf %add3A_934, %sub3A_936 : vector<16xf32>
    %convert_element_type3A_938 = arith.fptosi %sub3A_937 : vector<16xf32> to vector<16xi32>
    %gather3A_939 = tpu.vector_load_idx %arg5[%convert_element_type3A_938] : memref<1001xf32, #tpu.memory_space<vmem>>[vector<16xi32>], vector<16xf32>,
    %swap3A_940 = arith.constant 992 : index
    %swap3A_941 = tpu.vector_load %arg6[%swap3A_940] {strides = array<i32>} : memref<1024xf32, #tpu.memory_space<vmem>>, vector<16xf32>,
    tpu.vector_store %arg6[%swap3A_940], %gather3A_939 {strides = array<i32>} : memref<1024xf32, #tpu.memory_space<vmem>>, vector<16xf32>,
    %get3A_942 = arith.constant 1008 : index
    %get3A_943 = tpu.vector_load %arg6[%get3A_942] {strides = array<i32>} : memref<1024xf32, #tpu.memory_space<vmem>>, vector<16xf32>,
    %mul3A_944 = arith.constant 1.000000e+03 : f32
    %mul3A_945 = vector.broadcast %mul3A_944 : f32 to vector<16xf32>
    %mul3A_946 = arith.mulf %get3A_943, %mul3A_945 : vector<16xf32>
    %add3A_947 = arith.constant 0x4B000000 : f32
    %add3A_948 = vector.broadcast %add3A_947 : f32 to vector<16xf32>
    %add3A_949 = arith.addf %mul3A_946, %add3A_948 : vector<16xf32>
    %sub3A_950 = arith.constant 0x4B000000 : f32
    %sub3A_951 = vector.broadcast %sub3A_950 : f32 to vector<16xf32>
    %sub3A_952 = arith.subf %add3A_949, %sub3A_951 : vector<16xf32>
    %convert_element_type3A_953 = arith.fptosi %sub3A_952 : vector<16xf32> to vector<16xi32>
    %gather3A_954 = tpu.vector_load_idx %arg5[%convert_element_type3A_953] : memref<1001xf32, #tpu.memory_space<vmem>>[vector<16xi32>], vector<16xf32>,
    %swap3A_955 = arith.constant 1008 : index
    %swap3A_956 = tpu.vector_load %arg6[%swap3A_955] {strides = array<i32>} : memref<1024xf32, #tpu.memory_space<vmem>>, vector<16xf32>,
    tpu.vector_store %arg6[%swap3A_955], %gather3A_954 {strides = array<i32>} : memref<1024xf32, #tpu.memory_space<vmem>>, vector<16xf32>,
    "tpu.region"() ({
      %run_scoped3A = tpu.sem_alloc : memref<!tpu.dma_semaphore, #tpu.memory_space<semaphore_mem>>
      %dma_start3A_957 = tpu.memref_slice %arg4[%mul3A_0] : memref<16384xf32, #tpu.memory_space<hbm>> -> memref<1024xf32, #tpu.memory_space<hbm>>
      %dma_start3A_958 = tpu.memref_slice %arg4[%mul3A_0] : memref<16384xf32, #tpu.memory_space<hbm>> -> memref<1024xf32, #tpu.memory_space<hbm>>
      tpu.enqueue_dma source(%arg6 : memref<1024xf32, #tpu.memory_space<vmem>>) target(%dma_start3A_958 : memref<1024xf32, #tpu.memory_space<hbm>>) target_semaphore(%run_scoped3A : memref<!tpu.dma_semaphore, #tpu.memory_space<semaphore_mem>>)
      %dma_wait3A_959 = tpu.memref_slice %arg4[%mul3A_0] : memref<16384xf32, #tpu.memory_space<hbm>> -> memref<1024xf32, #tpu.memory_space<hbm>>
      %dma_wait3A_960 = tpu.memref_slice %arg4[%mul3A_0] : memref<16384xf32, #tpu.memory_space<hbm>> -> memref<1024xf32, #tpu.memory_space<hbm>>
      tpu.wait_dma2 semaphore(%run_scoped3A : memref<!tpu.dma_semaphore, #tpu.memory_space<semaphore_mem>>) src(%arg6 : memref<1024xf32, #tpu.memory_space<vmem>>) dst(%dma_wait3A_960 : memref<1024xf32, #tpu.memory_space<hbm>>)
      tpu.yield
    }) : () -> ()
    return
  }
}

</mosaic_0001>

<sc_bundles>
// kernel: kernel.3.cloned.1.call-start
scs
__scs_entry_jumppad:
0x0: {  	(pc) =	sbr.rel $0x88, $3  }
0x1: {  	(tag) =	ssettag $0x0;
	lr =	simm.s32 $0x1  }
0x2: {  	[smem:$0x3F9F] =	sst lr;
	_ =	strace $0xD0000000  }
0x3: {  	_ = 	snop  }
0x4: {  	_ = 	snop  }
0x5: {  	_ = 	snop  }
0x6: {  	_ = 	snop  }
0x7: {  	_ = 	snop  }
__scs_overlays_trampoline_lowered:
0x8: {  	[smem:$0x3FAE] =	sst s0  }
0x9: {  	[smem:$0x3FAF] =	sst s1  }
0xa: {  	[smem:$0x3FB0] =	sst s2  }
0xb: {  	[smem:$0x3FB1] =	sst s3  }
0xc: {  	[smem:$0x3FB2] =	sst s4  }
0xd: {  	[smem:$0x3FB3] =	sst s5  }
0xe: {  	[smem:$0x3FB4] =	sst s6  }
0xf: {  	[smem:$0x3FB5] =	sst s7  }
0x10: {  	[smem:$0x3FB6] =	sst s8  }
0x11: {  	[smem:$0x3FB7] =	sst s9;
	s0 =	simm.s32 @!p0 $0x0  }
0x12: {  	s1 =	sld [smem:$0x3F9D];
	s0 =	simm.s32 @p0 $0x1  }
0x13: {  	[smem:$0x3FB8] =	sst s0;
	s0 =	simm.s32 @!p1 $0x0  }
0x14: {  	s2 =	sld [smem:$0x3F9C];
	s0 =	simm.s32 @p1 $0x1  }
0x15: {  	[smem:$0x3FB9] =	sst s0;
	s0 =	simm.s32 @!p2 $0x0  }
0x16: {  	s3 =	sld [smem:$0x3FDB];
	s0 =	simm.s32 @p2 $0x1  }
0x17: {  	s4 =	simm.s32 $0x1BF5;
	[smem:$0x3FBB] =	sst s0  }
0x18: {  	s0 =	sld [smem:$0x3F9E];
	_ =	swait.ge [sflag:s4], $0x0  }
0x19: {  	s7 =	sld [smem:$0x3F9F]  }
0x1a: {  	s8 =	sadd.s32 $0xFFFFE003, lr  }
0x1b: {  	s9 =	sadd.s32 $0xFFFFFEF7, lr;
	s5 =	simm.s32 $0xFFFFFFFF;
	p2 =	slt.u32 s8, $0xFFFFF086  }
0x1c: {  	p1 =	slt.u32 s9, $0xF7A;
	s5 =	simm.s32 @!p2 $0x0  }
0x1d: {  	s5 =	simm.s32 @p1 $0x1;
	p0 =	seq.s32 s7, s2  }
0x1e: {  	s7 =	smul.u32 @!p0 $0xF7A, s2;
	p2 =	seq.s32 @!p0 s5, $0x0  }
0x1f: {  	s9 =	smul.u32 $0xF7A, s1;
	s8 =	simm.s32 @!p0 $0x1BF5;
	p2 =	por !p2, p0  }
0x20: {  	[sflag:s8] =	ssyncset.s32 @!p0 $0xFFFFF086;
	s6 =	sadd.s32 @!p0 s3, s7;
	s7 =	simm.s32 @!p0 $0x108  }
0x21: {  	s3 =	sadd.s32 s3, s9;
	s6 =	sadd.s32 @!p0 $0x88, s6;
	s7 =	simm.s32 @p2 $0x1082  }
0x22: {  	[simem:s7], [sflag:s8] =	dma.local @!p0 [hbm:s6], $0xF7A  }
0x23: {  	s9 =	sor.u32 $0xD0000000, s2;
	s6 =	simm.s32 $0x108;
	_ =	swait.ge @!p0 [sflag:s8], $0x0  }
0x24: {  	s3 =	sadd.s32 $0x88, s3;
	s6 =	simm.s32 @!p1 $0x1082;
	[sflag:s4] =	ssyncset.s32 $0xFFFFF086  }
0x25: {  	[simem:s6], [sflag:s4] =	dma.local [hbm:s3], $0xF7A  }
0x26: {  	[smem:$0x3F9F] =	sst s1;
	(tag) =	ssettag s2;
	_ =	strace s9  }
0x27: {  	s1 =	sld [smem:$0x3FAF]  }
0x28: {  	s2 =	sld [smem:$0x3FB0]  }
0x29: {  	s4 =	sld [smem:$0x3FB2]  }
0x2a: {  	p0 =	seq.s32 s5, $0x0;
	s5 =	sld [smem:$0x3FB3]  }
0x2b: {  	s6 =	sld [smem:$0x3FB4]  }
0x2c: {  	s7 =	sld [smem:$0x3FB5]  }
0x2d: {  	s3 =	simm.s32 $0x108;
	s8 =	sld [smem:$0x3FB6]  }
0x2e: {  	s3 =	simm.s32 @!p0 $0x1082;
	s9 =	sld [smem:$0x3FB7]  }
0x2f: {  	lr =	sadd.s32 s0, s3;
	s0 =	sld [smem:$0x3FAE]  }
0x30: {  	s3 =	sld [smem:$0x3FB1]  }
0x31: {  	[smem:$0x3FBA] =	sst s10  }
0x32: {  	s10 =	sld [smem:$0x3FB8];
	_ =	sdelay $0x3  }
0x33: {  	p0 =	seq.s32 s10, $0x1;
	s10 =	sld [smem:$0x3FBA];
	_ =	sdelay $0x3  }
0x34: {  	[smem:$0x3FBA] =	sst s10  }
0x35: {  	s10 =	sld [smem:$0x3FB9];
	_ =	sdelay $0x3  }
0x36: {  	p1 =	seq.s32 s10, $0x1;
	s10 =	sld [smem:$0x3FBA];
	_ =	sdelay $0x3  }
0x37: {  	[smem:$0x3FBA] =	sst s10  }
0x38: {  	s10 =	sld [smem:$0x3FBB]  }
0x39: {  	_ = 	snop;
	(pc) =	sbr.ind lr, $3  }
0x3a: {  	_ = 	snop  }
0x3b: {  	_ = 	snop  }
0x3c: {  	p2 =	seq.s32 s10, $0x1;
	s10 =	sld [smem:$0x3FBA]  }
0x3d: {  	_ =	shalt  }
0x3e: {  	_ =	shalt  }
0x3f: {  	_ =	shalt  }
0x40: {  	_ =	shalt  }
0x41: {  	_ =	shalt  }
0x42: {  	_ =	shalt  }
0x43: {  	_ =	shalt  }
0x44: {  	_ =	shalt  }
0x45: {  	_ =	shalt  }
0x46: {  	_ =	shalt  }
0x47: {  	_ =	shalt  }
0x48: {  	_ =	shalt  }
0x49: {  	_ =	shalt  }
0x4a: {  	_ =	shalt  }
0x4b: {  	_ =	shalt  }
0x4c: {  	_ =	shalt  }
0x4d: {  	_ =	shalt  }
0x4e: {  	_ =	shalt  }
0x4f: {  	_ =	shalt  }
0x50: {  	_ =	shalt  }
0x51: {  	_ =	shalt  }
0x52: {  	_ =	shalt  }
0x53: {  	_ =	shalt  }
0x54: {  	_ =	shalt  }
0x55: {  	_ =	shalt  }
0x56: {  	_ =	shalt  }
0x57: {  	_ =	shalt  }
0x58: {  	_ =	shalt  }
0x59: {  	_ =	shalt  }
0x5a: {  	_ =	shalt  }
0x5b: {  	_ =	shalt  }
0x5c: {  	_ =	shalt  }
0x5d: {  	_ =	shalt  }
0x5e: {  	_ =	shalt  }
0x5f: {  	_ =	shalt  }
0x60: {  	_ =	shalt  }
0x61: {  	_ =	shalt  }
0x62: {  	_ =	shalt  }
0x63: {  	_ =	shalt  }
0x64: {  	_ =	shalt  }
0x65: {  	_ =	shalt  }
0x66: {  	_ =	shalt  }
0x67: {  	_ =	shalt  }
0x68: {  	_ =	shalt  }
0x69: {  	_ =	shalt  }
0x6a: {  	_ =	shalt  }
0x6b: {  	_ =	shalt  }
0x6c: {  	_ =	shalt  }
0x6d: {  	_ =	shalt  }
0x6e: {  	_ =	shalt  }
0x6f: {  	_ =	shalt  }
0x70: {  	_ =	shalt  }
0x71: {  	_ =	shalt  }
0x72: {  	_ =	shalt  }
0x73: {  	_ =	shalt  }
0x74: {  	_ =	shalt  }
0x75: {  	_ =	shalt  }
0x76: {  	_ =	shalt  }
0x77: {  	_ =	shalt  }
0x78: {  	_ =	shalt  }
0x79: {  	_ =	shalt  }
0x7a: {  	_ =	shalt  }
0x7b: {  	_ =	shalt  }
0x7c: {  	_ =	shalt  }
0x7d: {  	_ =	shalt  }
0x7e: {  	_ =	shalt  }
0x7f: {  	_ =	shalt  }
0x80: {  	_ =	shalt  }
0x81: {  	_ =	shalt  }
0x82: {  	_ =	shalt  }
0x83: {  	_ =	shalt  }
0x84: {  	_ =	shalt  }
0x85: {  	_ =	shalt  }
0x86: {  	_ =	shalt  }
0x87: {  	_ =	shalt  }
.Lfunc_end0:
.L_simem_size_0:
called_computation_lowered:
.L_overlay_start_0:
0x88: {  	s0 =	sld [smem:$0x3FD9]  }
0x89: {  	s1 =	sld [smem:$0x3FFE];
	_ =	sdelay $0x3  }
0x8a: {  	s0 =	sadd.s32 s1, s0  }
0x8b: {  	[smem:$0x3FC6] =	sst s0  }
0x8c: {  	_ = 	snop  }
0x8d: {  	s0 =	sld [smem:$0x3FC9]  }
0x8e: {  	s17 =	sld [smem:$0x3FC8]  }
0x8f: {  	s2 =	sld [smem:$0x3FD0];
	(tm) =	ssettm $0x1  }
0x90: {  	s3 =	sld [smem:$0x3FFB];
	_ =	sdelay $0x3  }
0x91: {  	_ =	strace s3  }
0x92: {  	s3 =	sld [smem:$0x3FFC];
	_ =	sdelay $0x3  }
0x93: {  	_ =	strace s3  }
0x94: {  	s3 =	sld [smem:$0x3FFD];
	_ =	sdelay $0x3  }
0x95: {  	_ =	strace s3  }
0x96: {  	_ =	strace $0x8FFFFFFF  }
0x97: {  	s18 =	sld [smem:$0x3FDB];
	_ =	sdelay $0x1  }
0x98: {  	s4 =	simm.s32 $_scs_section_size  }
0x99: {  	s5 =	simm.s32 $_size__tile_overlayer_lowered;
	s6 =	simm.s32 $_tile_overlayer_lowered  }
0x9a: {  	s21 =	simm.s32 $0x1BFF;
	s20 =	sshll.u32 s6, $0x1;
	s3 =	sadd.s32 s4, s18  }
0x9b: {  	s7 =	simm.s32 $0x0;
	s19 =	sshll.u32 s5, $0x1;
	s5 =	sadd.s32 s20, s3  }
0x9c: {  	[timem:s7], [sflag:s21] =	dma.local [hbm:s5], s19  }
0x9d: {  	_ =	swait.ge [sflag:s21], s19  }
0x9e: {  	s4 =	ssub.s32 $0x0, s19;
	[sflag:s21] =	ssyncset.done $0x0  }
0x9f: {  	[sflag:s21] =	ssyncadd.s32 s4;
	_ =	sdelay $0x1  }
0xa0: {  	s22 =	simm.s32 $0x1B8B  }
0xa1: {  	_ =	swait.ge [sflag:s22], $0x1  }
0xa2: {  	[sflag:s22] =	ssyncset.done $0x0  }
0xa3: {  	s23 =	simm.s32 $0x1B8E;
	[sflag:s22] =	ssyncadd.s32 $0xFFFFFFFF  }
0xa4: {  	s24 =	simm.s32 $execute0_lowered;
	[smem:$0x3FD2] =	sst s23  }
0xa5: {  	s4 =	sshll.u32 s24, $0x1;
	_ =	strace $0x80000046;
	[dreg:$0x1] =	wrdreg $0xFFFFFFFF  }
0xa6: {  	s25 =	simm.s32 $_size_execute0_lowered;
	s3 =	sadd.s32 s3, s4;
	[dreg:$0x0] =	wrdreg $0x0  }
0xa7: {  	s4 =	sshll.u32 s25, $0x1;
	[dreg:$0x2] =	wrdreg s3  }
0xa8: {  	[dreg:$0x3] =	wrdreg s4  }
0xa9: {  	[dreg:$0x4] =	wrdreg $0xC0  }
0xaa: {  	_ =	task [dreg:s7], $0x5FFFF  }
0xab: {  	[dreg:$0x1] =	wrdreg $0xFFFFFFFF  }
0xac: {  	[dreg:$0x0] =	wrdreg $0x60  }
0xad: {  	[dreg:$0x2] =	wrdreg s0  }
0xae: {  	[dreg:$0x3] =	wrdreg s17  }
0xaf: {  	[dreg:$0x4] =	wrdreg s2  }
0xb0: {  	[dreg:$0x5] =	wrdreg $0x9  }
0xb1: {  	_ =	task.clear_ibuf [dreg:s7], $0x6FFFF;
	_ =	strace $0x90000046  }
0xb2: {  	s26 =	simm.s32 $0x9;
	_ =	strace $0x80000048  }
0xb3: {  	_ =	swait.ge [sflag:s26], $0x1  }
0xb4: {  	[sflag:s26] =	ssyncadd.s32 $0xFFFFFFFF  }
0xb5: {  	_ =	strace $0x90000048  }
0xb6: {  	_ =	sfence  }
0xb7: {  	s28 =	sld [smem:$0x0];
	_ =	sdelay $0x1  }
0xb8: {  	s29 =	srdreg.scid  }
0xb9: {  	s30 =	sshll.u32 s29, $0xD;
	s31 =	sshrl.u32 s29, $0x2  }
0xba: {  	s1 =	sand.u32 $0x1, s29;
	s2 =	sand.u32 $0x4000, s30;
	s0 =	sadd.s32 s31, s28  }
0xbb: {  	s1 =	sor.u32 s2, s1;
	s0 =	sshll.u32 s0, $0x11  }
0xbc: {  	s0 =	sor.u32 s0, s1  }
0xbd: {  	s0 =	sadd.s32 $0x8F2B, s0  }
0xbe: {  	[sflag:s0] =	ssyncadd.remote.s32 $0x1  }
0xbf: {  	_ =	sfence.sel $0xFFFF  }
0xc0: {  	[dreg:$0x0] =	wrdreg $0xFFFFFFFF;
	(pc) =	sbr.abs _section_cstart, $3  }
0xc1: {  	[dreg:$0x1] =	wrdreg $0xFFFFFFFF  }
0xc2: {  	_ =	task.clear_ibuf [dreg:s7], $0x2FFFF;
	_ =	strace $0x9FFFFFFF  }
0xc3: {  	(tm) =	ssettm $0x7FFFFFFF  }
tec
execute0_lowered:
.L_overlay_start_1:
0x0: {  	(tag) =	ssettag $0x1  }
0x1: {  	s5 =	rddreg [dreg:$0x0]  }
0x2: {  	s6 =	rddreg [dreg:$0x1]  }
0x3: {  	s2 =	rddreg [dreg:$0x2];
	s3 =	simm.s32 $0x0  }
0x4: {  	s1 =	stileid.u32;
	[smem:$0x7FF] =	sst s3  }
0x5: {  	s0 =	rddreg [dreg:$0x3];
	s4 =	sshll.u32 s1, $0x7;
	_ =	strace $0x80000047  }
0x6: {  	[tilespmem:s3], [sflag:$0x1] =	stream.linear.gather [hbm4b:s6+s3], $0x400, $0x38;
	[tilespmem:$0x800] =	vst v63  }
0x7: {  	s28 =	simm.s32 $0x400;
	s29 =	simm.s32 $0x1;
	s26 =	sadd.s32 s5, s4  }
0x8: {  	[tilespmem:s28], [sflag:$0x2] =	stream.linear.gather [hbm4b:s26+s3], $0x400, $0x38;
	[tilespmem:$0x800] =	vst v63  }
0x9: {  	_ =	swait.ge [sflag:s29], $0x400  }
0xa: {  	[sflag:s29] =	ssyncset.done $0x0  }
0xb: {  	s30 =	simm.s32 $0x2;
	[sflag:s29] =	ssyncadd.s32 $0xFFFFFC00  }
0xc: {  	_ =	swait.ge [sflag:s30], $0x400  }
0xd: {  	[sflag:s30] =	ssyncset.done $0x0  }
0xe: {  	[sflag:s30] =	ssyncadd.s32 $0xFFFFFC00  }
0xf: {  	v0 =	vld [tilespmem:$0x400];
	_ =	sdelay $0x4  }
0x10: {  	v0 =	vmul.f32 $1.000000000e+03, v0  }
0x11: {  	v1 =	vld [tilespmem:$0x410]  }
0x12: {  	v0 =	vadd.f32 $8.388608000e+06, v0;
	_ =	sdelay $0x1  }
0x13: {  	v0 =	vadd.f32 $-8.388608000e+06, v0;
	_ =	sdelay $0x1  }
0x14: {  	v1 =	vmul.f32 $1.000000000e+03, v1;
	v0 =	vtrunc.f32 v0  }
0x15: {  	v2 =	vld [tilespmem:$0x420];
	v0 =	vcvt.f32.s32 v0  }
0x16: {  	v1 =	vadd.f32 $8.388608000e+06, v1;
	_ =	sdelay $0x1  }
0x17: {  	v1 =	vadd.f32 $-8.388608000e+06, v1;
	_ =	sdelay $0x1  }
0x18: {  	v3 =	vld [tilespmem:$0x430];
	v2 =	vmul.f32 $1.000000000e+03, v2;
	v1 =	vtrunc.f32 v1  }
0x19: {  	v1 =	vcvt.f32.s32 v1;
	v0 =	vld.idx.msk [tilespmem:v0+s3+$0x0], $0xffff  }
0x1a: {  	v2 =	vadd.f32 $8.388608000e+06, v2;
	_ =	sdelay $0x1  }
0x1b: {  	v2 =	vadd.f32 $-8.388608000e+06, v2;
	_ =	sdelay $0x1  }
0x1c: {  	v58 =	vld [tilespmem:$0x440];
	v57 =	vmul.f32 $1.000000000e+03, v3;
	v56 =	vtrunc.f32 v2;
	[tilespmem:$0x400] =	vst v0  }
0x1d: {  	v0 =	vcvt.f32.s32 v56;
	v1 =	vld.idx.msk [tilespmem:v1+s3+$0x0], $0xffff  }
0x1e: {  	v2 =	vadd.f32 $8.388608000e+06, v57;
	_ =	sdelay $0x1  }
0x1f: {  	v2 =	vadd.f32 $-8.388608000e+06, v2;
	_ =	sdelay $0x1  }
0x20: {  	v61 =	vld [tilespmem:$0x450];
	v60 =	vmul.f32 $1.000000000e+03, v58;
	v59 =	vtrunc.f32 v2;
	[tilespmem:$0x410] =	vst v1  }
0x21: {  	v1 =	vcvt.f32.s32 v59;
	v0 =	vld.idx.msk [tilespmem:v0+s3+$0x0], $0xffff  }
0x22: {  	v2 =	vadd.f32 $8.388608000e+06, v60;
	_ =	sdelay $0x1  }
0x23: {  	v2 =	vadd.f32 $-8.388608000e+06, v2;
	_ =	sdelay $0x1  }
0x24: {  	v6 =	vld [tilespmem:$0x460];
	v63 =	vmul.f32 $1.000000000e+03, v61;
	v62 =	vtrunc.f32 v2;
	[tilespmem:$0x420] =	vst v0  }
0x25: {  	v0 =	vld.idx.msk [tilespmem:v1+s3+$0x0], $0xffff;
	v1 =	vcvt.f32.s32 v62  }
0x26: {  	v2 =	vadd.f32 $8.388608000e+06, v63;
	_ =	sdelay $0x1  }
0x27: {  	v2 =	vadd.f32 $-8.388608000e+06, v2;
	_ =	sdelay $0x1  }
0x28: {  	v9 =	vld [tilespmem:$0x470];
	v8 =	vmul.f32 $1.000000000e+03, v6;
	v7 =	vtrunc.f32 v2;
	[tilespmem:$0x430] =	vst v0  }
0x29: {  	v0 =	vcvt.f32.s32 v7;
	v1 =	vld.idx.msk [tilespmem:v1+s3+$0x0], $0xffff  }
0x2a: {  	v2 =	vadd.f32 $8.388608000e+06, v8;
	_ =	sdelay $0x1  }
0x2b: {  	v2 =	vadd.f32 $-8.388608000e+06, v2;
	_ =	sdelay $0x1  }
0x2c: {  	v12 =	vld [tilespmem:$0x480];
	v11 =	vmul.f32 $1.000000000e+03, v9;
	v10 =	vtrunc.f32 v2;
	[tilespmem:$0x440] =	vst v1  }
0x2d: {  	v1 =	vcvt.f32.s32 v10;
	v0 =	vld.idx.msk [tilespmem:v0+s3+$0x0], $0xffff  }
0x2e: {  	v2 =	vadd.f32 $8.388608000e+06, v11;
	_ =	sdelay $0x1  }
0x2f: {  	v2 =	vadd.f32 $-8.388608000e+06, v2;
	_ =	sdelay $0x1  }
0x30: {  	v15 =	vld [tilespmem:$0x490];
	v14 =	vmul.f32 $1.000000000e+03, v12;
	v13 =	vtrunc.f32 v2;
	[tilespmem:$0x450] =	vst v0  }
0x31: {  	v0 =	vld.idx.msk [tilespmem:v1+s3+$0x0], $0xffff;
	v1 =	vcvt.f32.s32 v13  }
0x32: {  	v2 =	vadd.f32 $8.388608000e+06, v14;
	_ =	sdelay $0x1  }
0x33: {  	v2 =	vadd.f32 $-8.388608000e+06, v2;
	_ =	sdelay $0x1  }
0x34: {  	v18 =	vld [tilespmem:$0x4A0];
	v17 =	vmul.f32 $1.000000000e+03, v15;
	v16 =	vtrunc.f32 v2;
	[tilespmem:$0x460] =	vst v0  }
0x35: {  	v0 =	vcvt.f32.s32 v16;
	v1 =	vld.idx.msk [tilespmem:v1+s3+$0x0], $0xffff  }
0x36: {  	v2 =	vadd.f32 $8.388608000e+06, v17;
	_ =	sdelay $0x1  }
0x37: {  	v2 =	vadd.f32 $-8.388608000e+06, v2;
	_ =	sdelay $0x1  }
0x38: {  	v21 =	vld [tilespmem:$0x4B0];
	v20 =	vmul.f32 $1.000000000e+03, v18;
	v19 =	vtrunc.f32 v2;
	[tilespmem:$0x470] =	vst v1  }
0x39: {  	v1 =	vcvt.f32.s32 v19;
	v0 =	vld.idx.msk [tilespmem:v0+s3+$0x0], $0xffff  }
0x3a: {  	v2 =	vadd.f32 $8.388608000e+06, v20;
	_ =	sdelay $0x1  }
0x3b: {  	v2 =	vadd.f32 $-8.388608000e+06, v2;
	_ =	sdelay $0x1  }
0x3c: {  	v24 =	vld [tilespmem:$0x4C0];
	v23 =	vmul.f32 $1.000000000e+03, v21;
	v22 =	vtrunc.f32 v2;
	[tilespmem:$0x480] =	vst v0  }
0x3d: {  	v0 =	vld.idx.msk [tilespmem:v1+s3+$0x0], $0xffff;
	v1 =	vcvt.f32.s32 v22  }
0x3e: {  	v2 =	vadd.f32 $8.388608000e+06, v23;
	_ =	sdelay $0x1  }
0x3f: {  	v2 =	vadd.f32 $-8.388608000e+06, v2;
	_ =	sdelay $0x1  }
0x40: {  	v27 =	vld [tilespmem:$0x4D0];
	v26 =	vmul.f32 $1.000000000e+03, v24;
	v25 =	vtrunc.f32 v2;
	[tilespmem:$0x490] =	vst v0  }
0x41: {  	v0 =	vcvt.f32.s32 v25;
	v1 =	vld.idx.msk [tilespmem:v1+s3+$0x0], $0xffff  }
0x42: {  	v2 =	vadd.f32 $8.388608000e+06, v26;
	_ =	sdelay $0x1  }
0x43: {  	v2 =	vadd.f32 $-8.388608000e+06, v2;
	_ =	sdelay $0x1  }
0x44: {  	v30 =	vld [tilespmem:$0x4E0];
	v29 =	vmul.f32 $1.000000000e+03, v27;
	v28 =	vtrunc.f32 v2;
	[tilespmem:$0x4A0] =	vst v1  }
0x45: {  	v1 =	vcvt.f32.s32 v28;
	v0 =	vld.idx.msk [tilespmem:v0+s3+$0x0], $0xffff  }
0x46: {  	v2 =	vadd.f32 $8.388608000e+06, v29;
	_ =	sdelay $0x1  }
0x47: {  	v2 =	vadd.f32 $-8.388608000e+06, v2;
	_ =	sdelay $0x1  }
0x48: {  	v33 =	vld [tilespmem:$0x4F0];
	v32 =	vmul.f32 $1.000000000e+03, v30;
	v31 =	vtrunc.f32 v2;
	[tilespmem:$0x4B0] =	vst v0  }
0x49: {  	v0 =	vld.idx.msk [tilespmem:v1+s3+$0x0], $0xffff;
	v1 =	vcvt.f32.s32 v31  }
0x4a: {  	v2 =	vadd.f32 $8.388608000e+06, v32;
	_ =	sdelay $0x1  }
0x4b: {  	v2 =	vadd.f32 $-8.388608000e+06, v2;
	_ =	sdelay $0x1  }
0x4c: {  	v36 =	vld [tilespmem:$0x500];
	v35 =	vmul.f32 $1.000000000e+03, v33;
	v34 =	vtrunc.f32 v2;
	[tilespmem:$0x4C0] =	vst v0  }
0x4d: {  	v0 =	vcvt.f32.s32 v34;
	v1 =	vld.idx.msk [tilespmem:v1+s3+$0x0], $0xffff  }
0x4e: {  	v2 =	vadd.f32 $8.388608000e+06, v35;
	_ =	sdelay $0x1  }
0x4f: {  	v2 =	vadd.f32 $-8.388608000e+06, v2;
	_ =	sdelay $0x1  }
0x50: {  	v39 =	vld [tilespmem:$0x510];
	v38 =	vmul.f32 $1.000000000e+03, v36;
	v37 =	vtrunc.f32 v2;
	[tilespmem:$0x4D0] =	vst v1  }
0x51: {  	v1 =	vcvt.f32.s32 v37;
	v0 =	vld.idx.msk [tilespmem:v0+s3+$0x0], $0xffff  }
0x52: {  	v2 =	vadd.f32 $8.388608000e+06, v38;
	_ =	sdelay $0x1  }
0x53: {  	v2 =	vadd.f32 $-8.388608000e+06, v2;
	_ =	sdelay $0x1  }
0x54: {  	v42 =	vld [tilespmem:$0x520];
	v41 =	vmul.f32 $1.000000000e+03, v39;
	v40 =	vtrunc.f32 v2;
	[tilespmem:$0x4E0] =	vst v0  }
0x55: {  	v0 =	vld.idx.msk [tilespmem:v1+s3+$0x0], $0xffff;
	v1 =	vcvt.f32.s32 v40  }
0x56: {  	v2 =	vadd.f32 $8.388608000e+06, v41;
	_ =	sdelay $0x1  }
0x57: {  	v2 =	vadd.f32 $-8.388608000e+06, v2;
	_ =	sdelay $0x1  }
0x58: {  	v45 =	vld [tilespmem:$0x530];
	v44 =	vmul.f32 $1.000000000e+03, v42;
	v43 =	vtrunc.f32 v2;
	[tilespmem:$0x4F0] =	vst v0  }
0x59: {  	v0 =	vcvt.f32.s32 v43;
	v1 =	vld.idx.msk [tilespmem:v1+s3+$0x0], $0xffff  }
0x5a: {  	v2 =	vadd.f32 $8.388608000e+06, v44;
	_ =	sdelay $0x1  }
0x5b: {  	v2 =	vadd.f32 $-8.388608000e+06, v2;
	_ =	sdelay $0x1  }
0x5c: {  	v48 =	vld [tilespmem:$0x540];
	v47 =	vmul.f32 $1.000000000e+03, v45;
	v46 =	vtrunc.f32 v2;
	[tilespmem:$0x500] =	vst v1  }
0x5d: {  	v1 =	vcvt.f32.s32 v46;
	v0 =	vld.idx.msk [tilespmem:v0+s3+$0x0], $0xffff  }
0x5e: {  	v2 =	vadd.f32 $8.388608000e+06, v47;
	_ =	sdelay $0x1  }
0x5f: {  	v2 =	vadd.f32 $-8.388608000e+06, v2;
	_ =	sdelay $0x1  }
0x60: {  	v51 =	vld [tilespmem:$0x550];
	v50 =	vmul.f32 $1.000000000e+03, v48;
	v49 =	vtrunc.f32 v2;
	[tilespmem:$0x510] =	vst v0  }
0x61: {  	v0 =	vld.idx.msk [tilespmem:v1+s3+$0x0], $0xffff;
	v1 =	vcvt.f32.s32 v49  }
0x62: {  	v2 =	vadd.f32 $8.388608000e+06, v50;
	_ =	sdelay $0x1  }
0x63: {  	v2 =	vadd.f32 $-8.388608000e+06, v2;
	_ =	sdelay $0x1  }
0x64: {  	v54 =	vld [tilespmem:$0x560];
	v53 =	vmul.f32 $1.000000000e+03, v51;
	v52 =	vtrunc.f32 v2;
	[tilespmem:$0x520] =	vst v0  }
0x65: {  	v0 =	vcvt.f32.s32 v52;
	v1 =	vld.idx.msk [tilespmem:v1+s3+$0x0], $0xffff  }
0x66: {  	v2 =	vadd.f32 $8.388608000e+06, v53;
	_ =	sdelay $0x1  }
0x67: {  	v2 =	vadd.f32 $-8.388608000e+06, v2;
	_ =	sdelay $0x1  }
0x68: {  	v57 =	vld [tilespmem:$0x570];
	v56 =	vmul.f32 $1.000000000e+03, v54;
	v55 =	vtrunc.f32 v2;
	[tilespmem:$0x530] =	vst v1  }
0x69: {  	v1 =	vcvt.f32.s32 v55;
	v0 =	vld.idx.msk [tilespmem:v0+s3+$0x0], $0xffff  }
0x6a: {  	v2 =	vadd.f32 $8.388608000e+06, v56;
	_ =	sdelay $0x1  }
0x6b: {  	v2 =	vadd.f32 $-8.388608000e+06, v2;
	_ =	sdelay $0x1  }
0x6c: {  	v60 =	vld [tilespmem:$0x580];
	v59 =	vmul.f32 $1.000000000e+03, v57;
	v58 =	vtrunc.f32 v2;
	[tilespmem:$0x540] =	vst v0  }
0x6d: {  	v0 =	vld.idx.msk [tilespmem:v1+s3+$0x0], $0xffff;
	v1 =	vcvt.f32.s32 v58  }
0x6e: {  	v2 =	vadd.f32 $8.388608000e+06, v59;
	_ =	sdelay $0x1  }
0x6f: {  	v2 =	vadd.f32 $-8.388608000e+06, v2;
	_ =	sdelay $0x1  }
0x70: {  	v63 =	vld [tilespmem:$0x590];
	v62 =	vmul.f32 $1.000000000e+03, v60;
	v61 =	vtrunc.f32 v2;
	[tilespmem:$0x550] =	vst v0  }
0x71: {  	v0 =	vcvt.f32.s32 v61;
	v1 =	vld.idx.msk [tilespmem:v1+s3+$0x0], $0xffff  }
0x72: {  	v2 =	vadd.f32 $8.388608000e+06, v62;
	_ =	sdelay $0x1  }
0x73: {  	v2 =	vadd.f32 $-8.388608000e+06, v2;
	_ =	sdelay $0x1  }
0x74: {  	v6 =	vmul.f32 $1.000000000e+03, v63;
	v7 =	vld [tilespmem:$0x5A0];
	v5 =	vtrunc.f32 v2;
	[tilespmem:$0x560] =	vst v1  }
0x75: {  	v1 =	vcvt.f32.s32 v5;
	v0 =	vld.idx.msk [tilespmem:v0+s3+$0x0], $0xffff  }
0x76: {  	v2 =	vadd.f32 $8.388608000e+06, v6;
	_ =	sdelay $0x1  }
0x77: {  	v2 =	vadd.f32 $-8.388608000e+06, v2;
	_ =	sdelay $0x1  }
0x78: {  	v9 =	vmul.f32 $1.000000000e+03, v7;
	v10 =	vld [tilespmem:$0x5B0];
	v8 =	vtrunc.f32 v2;
	[tilespmem:$0x570] =	vst v0  }
0x79: {  	v0 =	vld.idx.msk [tilespmem:v1+s3+$0x0], $0xffff;
	v1 =	vcvt.f32.s32 v8  }
0x7a: {  	v2 =	vadd.f32 $8.388608000e+06, v9;
	_ =	sdelay $0x1  }
0x7b: {  	v2 =	vadd.f32 $-8.388608000e+06, v2;
	_ =	sdelay $0x1  }
0x7c: {  	v12 =	vmul.f32 $1.000000000e+03, v10;
	v13 =	vld [tilespmem:$0x5C0];
	v11 =	vtrunc.f32 v2;
	[tilespmem:$0x580] =	vst v0  }
0x7d: {  	v0 =	vcvt.f32.s32 v11;
	v1 =	vld.idx.msk [tilespmem:v1+s3+$0x0], $0xffff  }
0x7e: {  	v2 =	vadd.f32 $8.388608000e+06, v12;
	_ =	sdelay $0x1  }
0x7f: {  	v2 =	vadd.f32 $-8.388608000e+06, v2;
	_ =	sdelay $0x1  }
0x80: {  	v15 =	vmul.f32 $1.000000000e+03, v13;
	v16 =	vld [tilespmem:$0x5D0];
	v14 =	vtrunc.f32 v2;
	[tilespmem:$0x590] =	vst v1  }
0x81: {  	v1 =	vcvt.f32.s32 v14;
	v0 =	vld.idx.msk [tilespmem:v0+s3+$0x0], $0xffff  }
0x82: {  	v2 =	vadd.f32 $8.388608000e+06, v15;
	_ =	sdelay $0x1  }
0x83: {  	v2 =	vadd.f32 $-8.388608000e+06, v2;
	_ =	sdelay $0x1  }
0x84: {  	v18 =	vmul.f32 $1.000000000e+03, v16;
	v19 =	vld [tilespmem:$0x5E0];
	v17 =	vtrunc.f32 v2;
	[tilespmem:$0x5A0] =	vst v0  }
0x85: {  	v0 =	vld.idx.msk [tilespmem:v1+s3+$0x0], $0xffff;
	v1 =	vcvt.f32.s32 v17  }
0x86: {  	v2 =	vadd.f32 $8.388608000e+06, v18;
	_ =	sdelay $0x1  }
0x87: {  	v2 =	vadd.f32 $-8.388608000e+06, v2;
	_ =	sdelay $0x1  }
0x88: {  	v21 =	vmul.f32 $1.000000000e+03, v19;
	v22 =	vld [tilespmem:$0x5F0];
	v20 =	vtrunc.f32 v2;
	[tilespmem:$0x5B0] =	vst v0  }
0x89: {  	v0 =	vcvt.f32.s32 v20;
	v1 =	vld.idx.msk [tilespmem:v1+s3+$0x0], $0xffff  }
0x8a: {  	v2 =	vadd.f32 $8.388608000e+06, v21;
	_ =	sdelay $0x1  }
0x8b: {  	v2 =	vadd.f32 $-8.388608000e+06, v2;
	_ =	sdelay $0x1  }
0x8c: {  	v24 =	vmul.f32 $1.000000000e+03, v22;
	v25 =	vld [tilespmem:$0x600];
	v23 =	vtrunc.f32 v2;
	[tilespmem:$0x5C0] =	vst v1  }
0x8d: {  	v1 =	vcvt.f32.s32 v23;
	v0 =	vld.idx.msk [tilespmem:v0+s3+$0x0], $0xffff  }
0x8e: {  	v2 =	vadd.f32 $8.388608000e+06, v24;
	_ =	sdelay $0x1  }
0x8f: {  	v2 =	vadd.f32 $-8.388608000e+06, v2;
	_ =	sdelay $0x1  }
0x90: {  	v27 =	vmul.f32 $1.000000000e+03, v25;
	v28 =	vld [tilespmem:$0x610];
	v26 =	vtrunc.f32 v2;
	[tilespmem:$0x5D0] =	vst v0  }
0x91: {  	v0 =	vld.idx.msk [tilespmem:v1+s3+$0x0], $0xffff;
	v1 =	vcvt.f32.s32 v26  }
0x92: {  	v2 =	vadd.f32 $8.388608000e+06, v27;
	_ =	sdelay $0x1  }
0x93: {  	v2 =	vadd.f32 $-8.388608000e+06, v2;
	_ =	sdelay $0x1  }
0x94: {  	v30 =	vmul.f32 $1.000000000e+03, v28;
	v31 =	vld [tilespmem:$0x620];
	v29 =	vtrunc.f32 v2;
	[tilespmem:$0x5E0] =	vst v0  }
0x95: {  	v0 =	vcvt.f32.s32 v29;
	v1 =	vld.idx.msk [tilespmem:v1+s3+$0x0], $0xffff  }
0x96: {  	v2 =	vadd.f32 $8.388608000e+06, v30;
	_ =	sdelay $0x1  }
0x97: {  	v2 =	vadd.f32 $-8.388608000e+06, v2;
	_ =	sdelay $0x1  }
0x98: {  	v33 =	vmul.f32 $1.000000000e+03, v31;
	v34 =	vld [tilespmem:$0x630];
	v32 =	vtrunc.f32 v2;
	[tilespmem:$0x5F0] =	vst v1  }
0x99: {  	v1 =	vcvt.f32.s32 v32;
	v0 =	vld.idx.msk [tilespmem:v0+s3+$0x0], $0xffff  }
0x9a: {  	v2 =	vadd.f32 $8.388608000e+06, v33;
	_ =	sdelay $0x1  }
0x9b: {  	v2 =	vadd.f32 $-8.388608000e+06, v2;
	_ =	sdelay $0x1  }
0x9c: {  	v36 =	vmul.f32 $1.000000000e+03, v34;
	v37 =	vld [tilespmem:$0x640];
	v35 =	vtrunc.f32 v2;
	[tilespmem:$0x600] =	vst v0  }
0x9d: {  	v0 =	vld.idx.msk [tilespmem:v1+s3+$0x0], $0xffff;
	v1 =	vcvt.f32.s32 v35  }
0x9e: {  	v2 =	vadd.f32 $8.388608000e+06, v36;
	_ =	sdelay $0x1  }
0x9f: {  	v2 =	vadd.f32 $-8.388608000e+06, v2;
	_ =	sdelay $0x1  }
0xa0: {  	v39 =	vmul.f32 $1.000000000e+03, v37;
	v40 =	vld [tilespmem:$0x650];
	v38 =	vtrunc.f32 v2;
	[tilespmem:$0x610] =	vst v0  }
0xa1: {  	v0 =	vcvt.f32.s32 v38;
	v1 =	vld.idx.msk [tilespmem:v1+s3+$0x0], $0xffff  }
0xa2: {  	v2 =	vadd.f32 $8.388608000e+06, v39;
	_ =	sdelay $0x1  }
0xa3: {  	v2 =	vadd.f32 $-8.388608000e+06, v2;
	_ =	sdelay $0x1  }
0xa4: {  	v42 =	vmul.f32 $1.000000000e+03, v40;
	v43 =	vld [tilespmem:$0x660];
	v41 =	vtrunc.f32 v2;
	[tilespmem:$0x620] =	vst v1  }
0xa5: {  	v1 =	vcvt.f32.s32 v41;
	v0 =	vld.idx.msk [tilespmem:v0+s3+$0x0], $0xffff  }
0xa6: {  	v2 =	vadd.f32 $8.388608000e+06, v42;
	_ =	sdelay $0x1  }
0xa7: {  	v2 =	vadd.f32 $-8.388608000e+06, v2;
	_ =	sdelay $0x1  }
0xa8: {  	v45 =	vmul.f32 $1.000000000e+03, v43;
	v46 =	vld [tilespmem:$0x670];
	v44 =	vtrunc.f32 v2;
	[tilespmem:$0x630] =	vst v0  }
0xa9: {  	v0 =	vld.idx.msk [tilespmem:v1+s3+$0x0], $0xffff;
	v1 =	vcvt.f32.s32 v44  }
0xaa: {  	v2 =	vadd.f32 $8.388608000e+06, v45;
	_ =	sdelay $0x1  }
0xab: {  	v2 =	vadd.f32 $-8.388608000e+06, v2;
	_ =	sdelay $0x1  }
0xac: {  	v48 =	vmul.f32 $1.000000000e+03, v46;
	v49 =	vld [tilespmem:$0x680];
	v47 =	vtrunc.f32 v2;
	[tilespmem:$0x640] =	vst v0  }
0xad: {  	v0 =	vcvt.f32.s32 v47;
	v1 =	vld.idx.msk [tilespmem:v1+s3+$0x0], $0xffff  }
0xae: {  	v2 =	vadd.f32 $8.388608000e+06, v48;
	_ =	sdelay $0x1  }
0xaf: {  	v2 =	vadd.f32 $-8.388608000e+06, v2;
	_ =	sdelay $0x1  }
0xb0: {  	v51 =	vmul.f32 $1.000000000e+03, v49;
	v52 =	vld [tilespmem:$0x690];
	v50 =	vtrunc.f32 v2;
	[tilespmem:$0x650] =	vst v1  }
0xb1: {  	v1 =	vcvt.f32.s32 v50;
	v0 =	vld.idx.msk [tilespmem:v0+s3+$0x0], $0xffff  }
0xb2: {  	v2 =	vadd.f32 $8.388608000e+06, v51;
	_ =	sdelay $0x1  }
0xb3: {  	v2 =	vadd.f32 $-8.388608000e+06, v2;
	_ =	sdelay $0x1  }
0xb4: {  	v54 =	vmul.f32 $1.000000000e+03, v52;
	v55 =	vld [tilespmem:$0x6A0];
	v53 =	vtrunc.f32 v2;
	[tilespmem:$0x660] =	vst v0  }
0xb5: {  	v0 =	vld.idx.msk [tilespmem:v1+s3+$0x0], $0xffff;
	v1 =	vcvt.f32.s32 v53  }
0xb6: {  	v2 =	vadd.f32 $8.388608000e+06, v54;
	_ =	sdelay $0x1  }
0xb7: {  	v2 =	vadd.f32 $-8.388608000e+06, v2;
	_ =	sdelay $0x1  }
0xb8: {  	v57 =	vmul.f32 $1.000000000e+03, v55;
	v58 =	vld [tilespmem:$0x6B0];
	v56 =	vtrunc.f32 v2;
	[tilespmem:$0x670] =	vst v0  }
0xb9: {  	v0 =	vcvt.f32.s32 v56;
	v1 =	vld.idx.msk [tilespmem:v1+s3+$0x0], $0xffff  }
0xba: {  	v2 =	vadd.f32 $8.388608000e+06, v57;
	_ =	sdelay $0x1  }
0xbb: {  	v2 =	vadd.f32 $-8.388608000e+06, v2;
	_ =	sdelay $0x1  }
0xbc: {  	v60 =	vmul.f32 $1.000000000e+03, v58;
	v61 =	vld [tilespmem:$0x6C0];
	v59 =	vtrunc.f32 v2;
	[tilespmem:$0x680] =	vst v1  }
0xbd: {  	v1 =	vcvt.f32.s32 v59;
	v0 =	vld.idx.msk [tilespmem:v0+s3+$0x0], $0xffff  }
0xbe: {  	v2 =	vadd.f32 $8.388608000e+06, v60;
	_ =	sdelay $0x1  }
0xbf: {  	v2 =	vadd.f32 $-8.388608000e+06, v2;
	_ =	sdelay $0x1  }
0xc0: {  	v6 =	vld [tilespmem:$0x6D0];
	v63 =	vmul.f32 $1.000000000e+03, v61;
	v62 =	vtrunc.f32 v2;
	[tilespmem:$0x690] =	vst v0  }
0xc1: {  	v0 =	vld.idx.msk [tilespmem:v1+s3+$0x0], $0xffff;
	v1 =	vcvt.f32.s32 v62  }
0xc2: {  	v2 =	vadd.f32 $8.388608000e+06, v63;
	_ =	sdelay $0x1  }
0xc3: {  	v2 =	vadd.f32 $-8.388608000e+06, v2;
	_ =	sdelay $0x1  }
0xc4: {  	v9 =	vld [tilespmem:$0x6E0];
	v8 =	vmul.f32 $1.000000000e+03, v6;
	v7 =	vtrunc.f32 v2;
	[tilespmem:$0x6A0] =	vst v0  }
0xc5: {  	v0 =	vcvt.f32.s32 v7;
	v1 =	vld.idx.msk [tilespmem:v1+s3+$0x0], $0xffff  }
0xc6: {  	v2 =	vadd.f32 $8.388608000e+06, v8;
	_ =	sdelay $0x1  }
0xc7: {  	v2 =	vadd.f32 $-8.388608000e+06, v2;
	_ =	sdelay $0x1  }
0xc8: {  	v12 =	vld [tilespmem:$0x6F0];
	v11 =	vmul.f32 $1.000000000e+03, v9;
	v10 =	vtrunc.f32 v2;
	[tilespmem:$0x6B0] =	vst v1  }
0xc9: {  	v1 =	vcvt.f32.s32 v10;
	v0 =	vld.idx.msk [tilespmem:v0+s3+$0x0], $0xffff  }
0xca: {  	v2 =	vadd.f32 $8.388608000e+06, v11;
	_ =	sdelay $0x1  }
0xcb: {  	v2 =	vadd.f32 $-8.388608000e+06, v2;
	_ =	sdelay $0x1  }
0xcc: {  	v15 =	vld [tilespmem:$0x700];
	v14 =	vmul.f32 $1.000000000e+03, v12;
	v13 =	vtrunc.f32 v2;
	[tilespmem:$0x6C0] =	vst v0  }
0xcd: {  	v0 =	vld.idx.msk [tilespmem:v1+s3+$0x0], $0xffff;
	v1 =	vcvt.f32.s32 v13  }
0xce: {  	v2 =	vadd.f32 $8.388608000e+06, v14;
	_ =	sdelay $0x1  }
0xcf: {  	v2 =	vadd.f32 $-8.388608000e+06, v2;
	_ =	sdelay $0x1  }
0xd0: {  	v18 =	vld [tilespmem:$0x710];
	v17 =	vmul.f32 $1.000000000e+03, v15;
	v16 =	vtrunc.f32 v2;
	[tilespmem:$0x6D0] =	vst v0  }
0xd1: {  	v0 =	vcvt.f32.s32 v16;
	v1 =	vld.idx.msk [tilespmem:v1+s3+$0x0], $0xffff  }
0xd2: {  	v2 =	vadd.f32 $8.388608000e+06, v17;
	_ =	sdelay $0x1  }
0xd3: {  	v2 =	vadd.f32 $-8.388608000e+06, v2;
	_ =	sdelay $0x1  }
0xd4: {  	v21 =	vld [tilespmem:$0x720];
	v20 =	vmul.f32 $1.000000000e+03, v18;
	v19 =	vtrunc.f32 v2;
	[tilespmem:$0x6E0] =	vst v1  }
0xd5: {  	v1 =	vcvt.f32.s32 v19;
	v0 =	vld.idx.msk [tilespmem:v0+s3+$0x0], $0xffff  }
0xd6: {  	v2 =	vadd.f32 $8.388608000e+06, v20;
	_ =	sdelay $0x1  }
0xd7: {  	v2 =	vadd.f32 $-8.388608000e+06, v2;
	_ =	sdelay $0x1  }
0xd8: {  	v24 =	vld [tilespmem:$0x730];
	v23 =	vmul.f32 $1.000000000e+03, v21;
	v22 =	vtrunc.f32 v2;
	[tilespmem:$0x6F0] =	vst v0  }
0xd9: {  	v0 =	vld.idx.msk [tilespmem:v1+s3+$0x0], $0xffff;
	v1 =	vcvt.f32.s32 v22  }
0xda: {  	v2 =	vadd.f32 $8.388608000e+06, v23;
	_ =	sdelay $0x1  }
0xdb: {  	v2 =	vadd.f32 $-8.388608000e+06, v2;
	_ =	sdelay $0x1  }
0xdc: {  	v27 =	vld [tilespmem:$0x740];
	v26 =	vmul.f32 $1.000000000e+03, v24;
	v25 =	vtrunc.f32 v2;
	[tilespmem:$0x700] =	vst v0  }
0xdd: {  	v0 =	vcvt.f32.s32 v25;
	v1 =	vld.idx.msk [tilespmem:v1+s3+$0x0], $0xffff  }
0xde: {  	v2 =	vadd.f32 $8.388608000e+06, v26;
	_ =	sdelay $0x1  }
0xdf: {  	v2 =	vadd.f32 $-8.388608000e+06, v2;
	_ =	sdelay $0x1  }
0xe0: {  	v30 =	vld [tilespmem:$0x750];
	v29 =	vmul.f32 $1.000000000e+03, v27;
	v28 =	vtrunc.f32 v2;
	[tilespmem:$0x710] =	vst v1  }
0xe1: {  	v1 =	vcvt.f32.s32 v28;
	v0 =	vld.idx.msk [tilespmem:v0+s3+$0x0], $0xffff  }
0xe2: {  	v2 =	vadd.f32 $8.388608000e+06, v29;
	_ =	sdelay $0x1  }
0xe3: {  	v2 =	vadd.f32 $-8.388608000e+06, v2;
	_ =	sdelay $0x1  }
0xe4: {  	v33 =	vld [tilespmem:$0x760];
	v32 =	vmul.f32 $1.000000000e+03, v30;
	v31 =	vtrunc.f32 v2;
	[tilespmem:$0x720] =	vst v0  }
0xe5: {  	v0 =	vld.idx.msk [tilespmem:v1+s3+$0x0], $0xffff;
	v1 =	vcvt.f32.s32 v31  }
0xe6: {  	v2 =	vadd.f32 $8.388608000e+06, v32;
	_ =	sdelay $0x1  }
0xe7: {  	v2 =	vadd.f32 $-8.388608000e+06, v2;
	_ =	sdelay $0x1  }
0xe8: {  	v36 =	vld [tilespmem:$0x770];
	v34 =	vtrunc.f32 v2;
	v35 =	vmul.f32 $1.000000000e+03, v33;
	[tilespmem:$0x730] =	vst v0  }
0xe9: {  	v0 =	vcvt.f32.s32 v34;
	v1 =	vld.idx.msk [tilespmem:v1+s3+$0x0], $0xffff  }
0xea: {  	v2 =	vadd.f32 $8.388608000e+06, v35;
	_ =	sdelay $0x1  }
0xeb: {  	v2 =	vadd.f32 $-8.388608000e+06, v2;
	_ =	sdelay $0x1  }
0xec: {  	v39 =	vld [tilespmem:$0x780];
	v38 =	vmul.f32 $1.000000000e+03, v36;
	v37 =	vtrunc.f32 v2;
	[tilespmem:$0x740] =	vst v1  }
0xed: {  	v1 =	vcvt.f32.s32 v37;
	v0 =	vld.idx.msk [tilespmem:v0+s3+$0x0], $0xffff  }
0xee: {  	v2 =	vadd.f32 $8.388608000e+06, v38;
	_ =	sdelay $0x1  }
0xef: {  	v2 =	vadd.f32 $-8.388608000e+06, v2;
	_ =	sdelay $0x1  }
0xf0: {  	v42 =	vld [tilespmem:$0x790];
	v40 =	vtrunc.f32 v2;
	v41 =	vmul.f32 $1.000000000e+03, v39;
	[tilespmem:$0x750] =	vst v0  }
0xf1: {  	v0 =	vld.idx.msk [tilespmem:v1+s3+$0x0], $0xffff;
	v1 =	vcvt.f32.s32 v40  }
0xf2: {  	v2 =	vadd.f32 $8.388608000e+06, v41;
	_ =	sdelay $0x1  }
0xf3: {  	v2 =	vadd.f32 $-8.388608000e+06, v2;
	_ =	sdelay $0x1  }
0xf4: {  	v45 =	vld [tilespmem:$0x7A0];
	v43 =	vtrunc.f32 v2;
	v44 =	vmul.f32 $1.000000000e+03, v42;
	[tilespmem:$0x760] =	vst v0  }
0xf5: {  	v0 =	vcvt.f32.s32 v43;
	v1 =	vld.idx.msk [tilespmem:v1+s3+$0x0], $0xffff  }
0xf6: {  	v2 =	vadd.f32 $8.388608000e+06, v44;
	_ =	sdelay $0x1  }
0xf7: {  	v2 =	vadd.f32 $-8.388608000e+06, v2;
	_ =	sdelay $0x1  }
0xf8: {  	v48 =	vld [tilespmem:$0x7B0];
	v47 =	vmul.f32 $1.000000000e+03, v45;
	v46 =	vtrunc.f32 v2;
	[tilespmem:$0x770] =	vst v1  }
0xf9: {  	v1 =	vcvt.f32.s32 v46;
	v0 =	vld.idx.msk [tilespmem:v0+s3+$0x0], $0xffff  }
0xfa: {  	v2 =	vadd.f32 $8.388608000e+06, v47;
	_ =	sdelay $0x1  }
0xfb: {  	v2 =	vadd.f32 $-8.388608000e+06, v2;
	_ =	sdelay $0x1  }
0xfc: {  	v51 =	vld [tilespmem:$0x7C0];
	v49 =	vtrunc.f32 v2;
	v50 =	vmul.f32 $1.000000000e+03, v48;
	[tilespmem:$0x780] =	vst v0  }
0xfd: {  	v0 =	vld.idx.msk [tilespmem:v1+s3+$0x0], $0xffff;
	v1 =	vcvt.f32.s32 v49  }
0xfe: {  	v2 =	vadd.f32 $8.388608000e+06, v50;
	_ =	sdelay $0x1  }
0xff: {  	v2 =	vadd.f32 $-8.388608000e+06, v2;
	_ =	sdelay $0x1  }
0x100: {  	v54 =	vld [tilespmem:$0x7D0];
	v52 =	vtrunc.f32 v2;
	v53 =	vmul.f32 $1.000000000e+03, v51;
	[tilespmem:$0x790] =	vst v0  }
0x101: {  	v0 =	vcvt.f32.s32 v52;
	v1 =	vld.idx.msk [tilespmem:v1+s3+$0x0], $0xffff  }
0x102: {  	v2 =	vadd.f32 $8.388608000e+06, v53;
	_ =	sdelay $0x1  }
0x103: {  	v2 =	vadd.f32 $-8.388608000e+06, v2;
	_ =	sdelay $0x1  }
0x104: {  	v57 =	vld [tilespmem:$0x7E0];
	v56 =	vmul.f32 $1.000000000e+03, v54;
	v55 =	vtrunc.f32 v2;
	[tilespmem:$0x7A0] =	vst v1  }
0x105: {  	v1 =	vcvt.f32.s32 v55;
	v0 =	vld.idx.msk [tilespmem:v0+s3+$0x0], $0xffff  }
0x106: {  	v2 =	vadd.f32 $8.388608000e+06, v56;
	_ =	sdelay $0x1  }
0x107: {  	v2 =	vadd.f32 $-8.388608000e+06, v2;
	_ =	sdelay $0x1  }
0x108: {  	v60 =	vld [tilespmem:$0x7F0];
	v58 =	vtrunc.f32 v2;
	v59 =	vmul.f32 $1.000000000e+03, v57;
	[tilespmem:$0x7B0] =	vst v0  }
0x109: {  	v0 =	vld.idx.msk [tilespmem:v1+s3+$0x0], $0xffff;
	v1 =	vcvt.f32.s32 v58  }
0x10a: {  	v2 =	vadd.f32 $8.388608000e+06, v59;
	_ =	sdelay $0x1  }
0x10b: {  	v2 =	vadd.f32 $-8.388608000e+06, v2;
	_ =	sdelay $0x1  }
0x10c: {  	v61 =	vtrunc.f32 v2;
	v62 =	vmul.f32 $1.000000000e+03, v60;
	[tilespmem:$0x7C0] =	vst v0  }
0x10d: {  	v0 =	vcvt.f32.s32 v61;
	v1 =	vld.idx.msk [tilespmem:v1+s3+$0x0], $0xffff  }
0x10e: {  	v2 =	vadd.f32 $8.388608000e+06, v62;
	_ =	sdelay $0x1  }
0x10f: {  	v2 =	vadd.f32 $-8.388608000e+06, v2;
	_ =	sdelay $0x1  }
0x110: {  	v63 =	vtrunc.f32 v2;
	[tilespmem:$0x7D0] =	vst v1  }
0x111: {  	v1 =	vcvt.f32.s32 v63;
	v0 =	vld.idx.msk [tilespmem:v0+s3+$0x0], $0xffff;
	_ =	sdelay $0x4  }
0x112: {  	[tilespmem:$0x7E0] =	vst v0  }
0x113: {  	v0 =	vld.idx.msk [tilespmem:v1+s3+$0x0], $0xffff;
	_ =	sdelay $0x4  }
0x114: {  	s31 =	simm.s32 $0x3;
	s2 =	sadd.s32 s2, s4;
	[tilespmem:$0x7F0] =	vst v0  }
0x115: {  	[hbm4b:s2+s3] =	stream.linear.scatter [tilespmem:s28], [sflag:$0x3], $0x400, $0x38;
	[tilespmem:$0x800] =	vst v63  }
0x116: {  	_ =	swait.ge [sflag:s31], $0x400  }
0x117: {  	[sflag:s31] =	ssyncset.done $0x0  }
0x118: {  	[sflag:s31] =	ssyncadd.s32 $0xFFFFFC00  }
0x119: {  	_ =	sfence.sel $0x180000  }
0x11a: {  	[bflag:$0x0] =	sbarrier.arrive $0xFFFF  }
0x11b: {  	p0 =	sne.s32 s1, $0x0;
	_ =	strace $0x90000047  }
0x11c: {  	s0 =	sadd.s32 @!p0 $0x100000, s0;
	[bflag:$0x2] =	sbarrier.arrive $0xFFFF  }
0x11d: {  	[sflag:s0] =	ssyncadd.tile.s32 @!p0 $0x1;
	_ =	shalt  }
.Lfunc_end2:
_tile_overlayer_lowered:
.L_overlay_start_2:
0x11e: {  	(tag) =	ssettag $0x2  }
0x11f: {  	s0 =	rddreg [dreg:$0x0];
	s2 =	stileid.u32  }
0x120: {  	s1 =	rddreg [dreg:$0x1];
	p0 =	sne.s32 s2, $0x0  }
0x121: {  	s3 =	rddreg [dreg:$0x2];
	[bflag:$0x3] =	sbarrier.arrive $0xFFFF;
	s2 =	simm.s32 @!p0 $0x1C03  }
0x122: {  	[timem:s3], [sflag:s2] =	dma.local @!p0 [hbm:s0], s1  }
0x123: {  	s0 =	simm.s32 @!p0 $0x3  }
0x124: {  	_ =	swait.ge @!p0 [sflag:s0], s1  }
0x125: {  	s1 =	ssub.s32 @!p0 $0x0, s1;
	[sflag:s0] =	ssyncset.done @!p0 $0x0  }
0x126: {  	[sflag:s0] =	ssyncadd.s32 @!p0 s1  }
0x127: {  	[bflag:$0x3] =	sbarrier.arrive $0xFFFF  }
0x128: {  	_ =	shalt  }

</sc_bundles>
